<compile_context>
chip_gen: v7x
topology: tpu7x:2x2x1
jax: 0.10.2.dev20260603
libtpu: 0.0.44.dev20260713+nightly
codegen_flags: <defaults>
</compile_context>

<pallas_src>
import functools

import jax
import jax.numpy as jnp
from jax import lax
from jax.experimental import pallas as pl
from jax.experimental.pallas import tpu as pltpu
from jax.experimental.pallas import tpu_sc as plsc

_D = 32
_GB = 16


def _emb_call(b, t):
    info = plsc.get_sparse_core_info()
    nw = info.num_cores * info.num_subcores
    b_per_w = b // nw
    n_g = b_per_w // _GB
    assert b == nw * n_g * _GB

    mesh = plsc.VectorSubcoreMesh(core_axis_name="c", subcore_axis_name="s")

    @functools.partial(
        pl.kernel,
        mesh=mesh,
        compiler_params=pltpu.CompilerParams(
            use_tc_tiling_on_sc=False, needs_layout_passes=False
        ),
        out_type=jax.ShapeDtypeStruct((b, t, _D), jnp.float32),
        scratch_types=[
            pltpu.VMEM((b_per_w, t), jnp.int32),
            pltpu.VMEM((2, _GB, t, _D), jnp.float32),
            pltpu.SemaphoreType.DMA,
            pltpu.SemaphoreType.DMA,
        ],
    )
    def emb(idx_hbm, table_hbm, out_hbm, idx_v, rows_v, gsem, osem):
        wid = lax.axis_index("s") * info.num_cores + lax.axis_index("c")
        base = wid * b_per_w
        pltpu.sync_copy(idx_hbm.at[pl.ds(base, b_per_w)], idx_v)

        def gather_descs(g, buf):
            return [
                pltpu.make_async_copy(
                    table_hbm.at[idx_v.at[g * _GB + r]],
                    rows_v.at[buf, r],
                    gsem,
                )
                for r in range(_GB)
            ]

        def out_desc(g, buf):
            return pltpu.make_async_copy(
                rows_v.at[buf],
                out_hbm.at[pl.ds(base + g * _GB, _GB)],
                osem,
            )

        for d in gather_descs(0, 0):
            d.start()

        def group(g, carry):
            buf = lax.rem(g, 2)
            pl.when(g >= 1)(lambda: out_desc(g - 1, 1 - buf).wait())

            def fire_next():
                for d in gather_descs(g + 1, 1 - buf):
                    d.start()

            pl.when(g + 1 < n_g)(fire_next)
            for d in gather_descs(g, buf):
                d.wait()
            out_desc(g, buf).start()
            return carry

        lax.fori_loop(0, n_g, group, 0)
        out_desc(n_g - 1, lax.rem(n_g - 1, 2)).wait()

    return emb


def kernel(token_ids, weight):
    b, t = token_ids.shape
    return _emb_call(b, t)(token_ids, weight)

# --- scband reference (transcript-rebuilt; emitter-appended) ---
"""Pipeline reference for scband-embedding-43276090475180 (READ-ONLY COPY).

The authoritative reference and input builder live on the scoring server;
editing this copy changes nothing except your own understanding.
"""

import jax, jax.numpy as jnp
import numpy as np
import math

NUM_EMBEDDINGS = 1000000
EMBEDDING_DIM = 32

def setup_inputs(seed: int = 0) -> dict:
    key = jax.random.key(seed)
    k_idx, k_w = jax.random.split(key)
    token_ids = jax.random.randint(k_idx, (16384, 50), 0, NUM_EMBEDDINGS, dtype=jnp.int64 if jax.config.jax_enable_x64 else jnp.int32)
    std = math.sqrt(2.0 / (NUM_EMBEDDINGS + EMBEDDING_DIM))
    # trunc_normal_ truncates at +/- 2 std by default in torch
    weight = jax.random.truncated_normal(k_w, -2.0, 2.0, (NUM_EMBEDDINGS, EMBEDDING_DIM), dtype=jnp.float32) * std
    return {"token_ids": token_ids, "weight": weight}

def reference(token_ids, weight):
    # Faithful translation of: return self.weight[token_ids]
    return jnp.take(weight, token_ids, axis=0)

if __name__ == "__main__":
    import jax
    _d = setup_inputs()
    print(jax.jit(kernel)(*tuple(_d.values())))

</pallas_src>

<mosaic_0001>
#map = affine_map<(d0, d1) -> (0, 0)>
#map1 = affine_map<(d0, d1) -> (0, 0, 0)>
module attributes {stable_mosaic.version = 14 : i64} {
  func.func @emb(%arg0: i32, %arg1: i32, %arg2: memref<16384x50xi32, #tpu.memory_space<hbm>>, %arg3: memref<1000000x32xf32, #tpu.memory_space<hbm>>, %arg4: memref<16384x50x32xf32, #tpu.memory_space<hbm>>, %arg5: memref<512x50xi32, #tpu.memory_space<vmem>>, %arg6: memref<2x16x50x32xf32, #tpu.memory_space<vmem>>, %arg7: memref<!tpu.dma_semaphore, #tpu.memory_space<semaphore_mem>>, %arg8: memref<!tpu.dma_semaphore, #tpu.memory_space<semaphore_mem>>) attributes {dimension_semantics = [#tpu.dimension_semantics<core_parallel>, #tpu.dimension_semantics<subcore_parallel>], iteration_bounds = array<i64: 2, 16>, scalar_prefetch = 0 : i64, scratch_operands = 4 : i64, tpu.core_type = #tpu.core_type<sc_vector_subcore>, window_params = [{transform_indices = #map}, {transform_indices = #map}, {transform_indices = #map1}]} {
    %mul3A = arith.constant 2 : i32
    %mul3A_0 = arith.muli %arg1, %mul3A : i32
    %add3A = arith.addi %mul3A_0, %arg0 : i32
    %mul3A_1 = arith.constant 512 : i32
    %mul3A_2 = arith.muli %add3A, %mul3A_1 : i32
    "tpu.region"() ({
      %run_scoped3A = tpu.sem_alloc : memref<!tpu.dma_semaphore, #tpu.memory_space<semaphore_mem>>
      %dma_start3A_234 = arith.constant 0 : i32
      %dma_start3A_235 = tpu.memref_slice %arg2[%mul3A_2, %dma_start3A_234] : memref<16384x50xi32, #tpu.memory_space<hbm>> -> memref<512x50xi32, #tpu.memory_space<hbm>>
      %dma_start3A_236 = arith.constant 0 : i32
      %dma_start3A_237 = tpu.memref_slice %arg2[%mul3A_2, %dma_start3A_236] : memref<16384x50xi32, #tpu.memory_space<hbm>> -> memref<512x50xi32, #tpu.memory_space<hbm>>
      tpu.enqueue_dma source(%dma_start3A_237 : memref<512x50xi32, #tpu.memory_space<hbm>>) target(%arg5 : memref<512x50xi32, #tpu.memory_space<vmem>>) target_semaphore(%run_scoped3A : memref<!tpu.dma_semaphore, #tpu.memory_space<semaphore_mem>>)
      %dma_wait3A_238 = arith.constant 0 : i32
      %dma_wait3A_239 = tpu.memref_slice %arg2[%mul3A_2, %dma_wait3A_238] : memref<16384x50xi32, #tpu.memory_space<hbm>> -> memref<512x50xi32, #tpu.memory_space<hbm>>
      %dma_wait3A_240 = arith.constant 0 : i32
      %dma_wait3A_241 = tpu.memref_slice %arg2[%mul3A_2, %dma_wait3A_240] : memref<16384x50xi32, #tpu.memory_space<hbm>> -> memref<512x50xi32, #tpu.memory_space<hbm>>
      tpu.wait_dma2 semaphore(%run_scoped3A : memref<!tpu.dma_semaphore, #tpu.memory_space<semaphore_mem>>) src(%dma_wait3A_241 : memref<512x50xi32, #tpu.memory_space<hbm>>) dst(%arg5 : memref<512x50xi32, #tpu.memory_space<vmem>>)
      tpu.yield
    }) : () -> ()
    %dma_start3A = arith.constant 0 : i32
    %dma_start3A_3 = arith.constant 0 : i32
    %dma_start3A_4 = arith.constant 0 : i32
    %dma_start3A_5 = arith.constant 0 : i32
    %dma_start3A_6 = arith.constant 0 : i32
    %dma_start3A_7 = tpu.memref_slice %arg6[%dma_start3A_3, %dma_start3A_4, %dma_start3A_5, %dma_start3A_6] : memref<2x16x50x32xf32, #tpu.memory_space<vmem>> -> memref<1x1x50x32xf32, #tpu.memory_space<vmem>>
    %dma_start3A_8 = tpu.memref_squeeze %dma_start3A_7 : memref<1x1x50x32xf32, #tpu.memory_space<vmem>> -> memref<50x32xf32, #tpu.memory_space<vmem>>
    %dma_start3A_9 = arith.constant 0 : i32
    %dma_start3A_10 = tpu.memref_slice %arg5[%dma_start3A, %dma_start3A_9] : memref<512x50xi32, #tpu.memory_space<vmem>> -> memref<1x50xi32, #tpu.memory_space<vmem>>
    %dma_start3A_11 = tpu.memref_squeeze %dma_start3A_10 : memref<1x50xi32, #tpu.memory_space<vmem>> -> memref<50xi32, #tpu.memory_space<vmem>>
    %dma_start3A_12 = arith.constant 0 : i32
    %dma_start3A_13 = arith.constant 0 : i32
    %dma_start3A_14 = tpu.memref_slice %arg3[%dma_start3A_12, %dma_start3A_13] : memref<1000000x32xf32, #tpu.memory_space<hbm>> -> memref<1000000x32xf32, #tpu.memory_space<hbm>>
    tpu.enqueue_indirect_dma source(%dma_start3A_14 : memref<1000000x32xf32, #tpu.memory_space<hbm>>) target(%dma_start3A_8 : memref<50x32xf32, #tpu.memory_space<vmem>>) offsets(%dma_start3A_11 : memref<50xi32, #tpu.memory_space<vmem>>) semaphore(%arg7 : memref<!tpu.dma_semaphore, #tpu.memory_space<semaphore_mem>>)
    %dma_start3A_15 = arith.constant 1 : i32
    %dma_start3A_16 = arith.constant 0 : i32
    %dma_start3A_17 = arith.constant 1 : i32
    %dma_start3A_18 = arith.constant 0 : i32
    %dma_start3A_19 = arith.constant 0 : i32
    %dma_start3A_20 = tpu.memref_slice %arg6[%dma_start3A_16, %dma_start3A_17, %dma_start3A_18, %dma_start3A_19] : memref<2x16x50x32xf32, #tpu.memory_space<vmem>> -> memref<1x1x50x32xf32, #tpu.memory_space<vmem>>
    %dma_start3A_21 = tpu.memref_squeeze %dma_start3A_20 : memref<1x1x50x32xf32, #tpu.memory_space<vmem>> -> memref<50x32xf32, #tpu.memory_space<vmem>>
    %dma_start3A_22 = arith.constant 0 : i32
    %dma_start3A_23 = tpu.memref_slice %arg5[%dma_start3A_15, %dma_start3A_22] : memref<512x50xi32, #tpu.memory_space<vmem>> -> memref<1x50xi32, #tpu.memory_space<vmem>>
    %dma_start3A_24 = tpu.memref_squeeze %dma_start3A_23 : memref<1x50xi32, #tpu.memory_space<vmem>> -> memref<50xi32, #tpu.memory_space<vmem>>
    %dma_start3A_25 = arith.constant 0 : i32
    %dma_start3A_26 = arith.constant 0 : i32
    %dma_start3A_27 = tpu.memref_slice %arg3[%dma_start3A_25, %dma_start3A_26] : memref<1000000x32xf32, #tpu.memory_space<hbm>> -> memref<1000000x32xf32, #tpu.memory_space<hbm>>
    tpu.enqueue_indirect_dma source(%dma_start3A_27 : memref<1000000x32xf32, #tpu.memory_space<hbm>>) target(%dma_start3A_21 : memref<50x32xf32, #tpu.memory_space<vmem>>) offsets(%dma_start3A_24 : memref<50xi32, #tpu.memory_space<vmem>>) semaphore(%arg7 : memref<!tpu.dma_semaphore, #tpu.memory_space<semaphore_mem>>)
    %dma_start3A_28 = arith.constant 2 : i32
    %dma_start3A_29 = arith.constant 0 : i32
    %dma_start3A_30 = arith.constant 2 : i32
    %dma_start3A_31 = arith.constant 0 : i32
    %dma_start3A_32 = arith.constant 0 : i32
    %dma_start3A_33 = tpu.memref_slice %arg6[%dma_start3A_29, %dma_start3A_30, %dma_start3A_31, %dma_start3A_32] : memref<2x16x50x32xf32, #tpu.memory_space<vmem>> -> memref<1x1x50x32xf32, #tpu.memory_space<vmem>>
    %dma_start3A_34 = tpu.memref_squeeze %dma_start3A_33 : memref<1x1x50x32xf32, #tpu.memory_space<vmem>> -> memref<50x32xf32, #tpu.memory_space<vmem>>
    %dma_start3A_35 = arith.constant 0 : i32
    %dma_start3A_36 = tpu.memref_slice %arg5[%dma_start3A_28, %dma_start3A_35] : memref<512x50xi32, #tpu.memory_space<vmem>> -> memref<1x50xi32, #tpu.memory_space<vmem>>
    %dma_start3A_37 = tpu.memref_squeeze %dma_start3A_36 : memref<1x50xi32, #tpu.memory_space<vmem>> -> memref<50xi32, #tpu.memory_space<vmem>>
    %dma_start3A_38 = arith.constant 0 : i32
    %dma_start3A_39 = arith.constant 0 : i32
    %dma_start3A_40 = tpu.memref_slice %arg3[%dma_start3A_38, %dma_start3A_39] : memref<1000000x32xf32, #tpu.memory_space<hbm>> -> memref<1000000x32xf32, #tpu.memory_space<hbm>>
    tpu.enqueue_indirect_dma source(%dma_start3A_40 : memref<1000000x32xf32, #tpu.memory_space<hbm>>) target(%dma_start3A_34 : memref<50x32xf32, #tpu.memory_space<vmem>>) offsets(%dma_start3A_37 : memref<50xi32, #tpu.memory_space<vmem>>) semaphore(%arg7 : memref<!tpu.dma_semaphore, #tpu.memory_space<semaphore_mem>>)
    %dma_start3A_41 = arith.constant 3 : i32
    %dma_start3A_42 = arith.constant 0 : i32
    %dma_start3A_43 = arith.constant 3 : i32
    %dma_start3A_44 = arith.constant 0 : i32
    %dma_start3A_45 = arith.constant 0 : i32
    %dma_start3A_46 = tpu.memref_slice %arg6[%dma_start3A_42, %dma_start3A_43, %dma_start3A_44, %dma_start3A_45] : memref<2x16x50x32xf32, #tpu.memory_space<vmem>> -> memref<1x1x50x32xf32, #tpu.memory_space<vmem>>
    %dma_start3A_47 = tpu.memref_squeeze %dma_start3A_46 : memref<1x1x50x32xf32, #tpu.memory_space<vmem>> -> memref<50x32xf32, #tpu.memory_space<vmem>>
    %dma_start3A_48 = arith.constant 0 : i32
    %dma_start3A_49 = tpu.memref_slice %arg5[%dma_start3A_41, %dma_start3A_48] : memref<512x50xi32, #tpu.memory_space<vmem>> -> memref<1x50xi32, #tpu.memory_space<vmem>>
    %dma_start3A_50 = tpu.memref_squeeze %dma_start3A_49 : memref<1x50xi32, #tpu.memory_space<vmem>> -> memref<50xi32, #tpu.memory_space<vmem>>
    %dma_start3A_51 = arith.constant 0 : i32
    %dma_start3A_52 = arith.constant 0 : i32
    %dma_start3A_53 = tpu.memref_slice %arg3[%dma_start3A_51, %dma_start3A_52] : memref<1000000x32xf32, #tpu.memory_space<hbm>> -> memref<1000000x32xf32, #tpu.memory_space<hbm>>
    tpu.enqueue_indirect_dma source(%dma_start3A_53 : memref<1000000x32xf32, #tpu.memory_space<hbm>>) target(%dma_start3A_47 : memref<50x32xf32, #tpu.memory_space<vmem>>) offsets(%dma_start3A_50 : memref<50xi32, #tpu.memory_space<vmem>>) semaphore(%arg7 : memref<!tpu.dma_semaphore, #tpu.memory_space<semaphore_mem>>)
    %dma_start3A_54 = arith.constant 4 : i32
    %dma_start3A_55 = arith.constant 0 : i32
    %dma_start3A_56 = arith.constant 4 : i32
    %dma_start3A_57 = arith.constant 0 : i32
    %dma_start3A_58 = arith.constant 0 : i32
    %dma_start3A_59 = tpu.memref_slice %arg6[%dma_start3A_55, %dma_start3A_56, %dma_start3A_57, %dma_start3A_58] : memref<2x16x50x32xf32, #tpu.memory_space<vmem>> -> memref<1x1x50x32xf32, #tpu.memory_space<vmem>>
    %dma_start3A_60 = tpu.memref_squeeze %dma_start3A_59 : memref<1x1x50x32xf32, #tpu.memory_space<vmem>> -> memref<50x32xf32, #tpu.memory_space<vmem>>
    %dma_start3A_61 = arith.constant 0 : i32
    %dma_start3A_62 = tpu.memref_slice %arg5[%dma_start3A_54, %dma_start3A_61] : memref<512x50xi32, #tpu.memory_space<vmem>> -> memref<1x50xi32, #tpu.memory_space<vmem>>
    %dma_start3A_63 = tpu.memref_squeeze %dma_start3A_62 : memref<1x50xi32, #tpu.memory_space<vmem>> -> memref<50xi32, #tpu.memory_space<vmem>>
    %dma_start3A_64 = arith.constant 0 : i32
    %dma_start3A_65 = arith.constant 0 : i32
    %dma_start3A_66 = tpu.memref_slice %arg3[%dma_start3A_64, %dma_start3A_65] : memref<1000000x32xf32, #tpu.memory_space<hbm>> -> memref<1000000x32xf32, #tpu.memory_space<hbm>>
    tpu.enqueue_indirect_dma source(%dma_start3A_66 : memref<1000000x32xf32, #tpu.memory_space<hbm>>) target(%dma_start3A_60 : memref<50x32xf32, #tpu.memory_space<vmem>>) offsets(%dma_start3A_63 : memref<50xi32, #tpu.memory_space<vmem>>) semaphore(%arg7 : memref<!tpu.dma_semaphore, #tpu.memory_space<semaphore_mem>>)
    %dma_start3A_67 = arith.constant 5 : i32
    %dma_start3A_68 = arith.constant 0 : i32
    %dma_start3A_69 = arith.constant 5 : i32
    %dma_start3A_70 = arith.constant 0 : i32
    %dma_start3A_71 = arith.constant 0 : i32
    %dma_start3A_72 = tpu.memref_slice %arg6[%dma_start3A_68, %dma_start3A_69, %dma_start3A_70, %dma_start3A_71] : memref<2x16x50x32xf32, #tpu.memory_space<vmem>> -> memref<1x1x50x32xf32, #tpu.memory_space<vmem>>
    %dma_start3A_73 = tpu.memref_squeeze %dma_start3A_72 : memref<1x1x50x32xf32, #tpu.memory_space<vmem>> -> memref<50x32xf32, #tpu.memory_space<vmem>>
    %dma_start3A_74 = arith.constant 0 : i32
    %dma_start3A_75 = tpu.memref_slice %arg5[%dma_start3A_67, %dma_start3A_74] : memref<512x50xi32, #tpu.memory_space<vmem>> -> memref<1x50xi32, #tpu.memory_space<vmem>>
    %dma_start3A_76 = tpu.memref_squeeze %dma_start3A_75 : memref<1x50xi32, #tpu.memory_space<vmem>> -> memref<50xi32, #tpu.memory_space<vmem>>
    %dma_start3A_77 = arith.constant 0 : i32
    %dma_start3A_78 = arith.constant 0 : i32
    %dma_start3A_79 = tpu.memref_slice %arg3[%dma_start3A_77, %dma_start3A_78] : memref<1000000x32xf32, #tpu.memory_space<hbm>> -> memref<1000000x32xf32, #tpu.memory_space<hbm>>
    tpu.enqueue_indirect_dma source(%dma_start3A_79 : memref<1000000x32xf32, #tpu.memory_space<hbm>>) target(%dma_start3A_73 : memref<50x32xf32, #tpu.memory_space<vmem>>) offsets(%dma_start3A_76 : memref<50xi32, #tpu.memory_space<vmem>>) semaphore(%arg7 : memref<!tpu.dma_semaphore, #tpu.memory_space<semaphore_mem>>)
    %dma_start3A_80 = arith.constant 6 : i32
    %dma_start3A_81 = arith.constant 0 : i32
    %dma_start3A_82 = arith.constant 6 : i32
    %dma_start3A_83 = arith.constant 0 : i32
    %dma_start3A_84 = arith.constant 0 : i32
    %dma_start3A_85 = tpu.memref_slice %arg6[%dma_start3A_81, %dma_start3A_82, %dma_start3A_83, %dma_start3A_84] : memref<2x16x50x32xf32, #tpu.memory_space<vmem>> -> memref<1x1x50x32xf32, #tpu.memory_space<vmem>>
    %dma_start3A_86 = tpu.memref_squeeze %dma_start3A_85 : memref<1x1x50x32xf32, #tpu.memory_space<vmem>> -> memref<50x32xf32, #tpu.memory_space<vmem>>
    %dma_start3A_87 = arith.constant 0 : i32
    %dma_start3A_88 = tpu.memref_slice %arg5[%dma_start3A_80, %dma_start3A_87] : memref<512x50xi32, #tpu.memory_space<vmem>> -> memref<1x50xi32, #tpu.memory_space<vmem>>
    %dma_start3A_89 = tpu.memref_squeeze %dma_start3A_88 : memref<1x50xi32, #tpu.memory_space<vmem>> -> memref<50xi32, #tpu.memory_space<vmem>>
    %dma_start3A_90 = arith.constant 0 : i32
    %dma_start3A_91 = arith.constant 0 : i32
    %dma_start3A_92 = tpu.memref_slice %arg3[%dma_start3A_90, %dma_start3A_91] : memref<1000000x32xf32, #tpu.memory_space<hbm>> -> memref<1000000x32xf32, #tpu.memory_space<hbm>>
    tpu.enqueue_indirect_dma source(%dma_start3A_92 : memref<1000000x32xf32, #tpu.memory_space<hbm>>) target(%dma_start3A_86 : memref<50x32xf32, #tpu.memory_space<vmem>>) offsets(%dma_start3A_89 : memref<50xi32, #tpu.memory_space<vmem>>) semaphore(%arg7 : memref<!tpu.dma_semaphore, #tpu.memory_space<semaphore_mem>>)
    %dma_start3A_93 = arith.constant 7 : i32
    %dma_start3A_94 = arith.constant 0 : i32
    %dma_start3A_95 = arith.constant 7 : i32
    %dma_start3A_96 = arith.constant 0 : i32
    %dma_start3A_97 = arith.constant 0 : i32
    %dma_start3A_98 = tpu.memref_slice %arg6[%dma_start3A_94, %dma_start3A_95, %dma_start3A_96, %dma_start3A_97] : memref<2x16x50x32xf32, #tpu.memory_space<vmem>> -> memref<1x1x50x32xf32, #tpu.memory_space<vmem>>
    %dma_start3A_99 = tpu.memref_squeeze %dma_start3A_98 : memref<1x1x50x32xf32, #tpu.memory_space<vmem>> -> memref<50x32xf32, #tpu.memory_space<vmem>>
    %dma_start3A_100 = arith.constant 0 : i32
    %dma_start3A_101 = tpu.memref_slice %arg5[%dma_start3A_93, %dma_start3A_100] : memref<512x50xi32, #tpu.memory_space<vmem>> -> memref<1x50xi32, #tpu.memory_space<vmem>>
    %dma_start3A_102 = tpu.memref_squeeze %dma_start3A_101 : memref<1x50xi32, #tpu.memory_space<vmem>> -> memref<50xi32, #tpu.memory_space<vmem>>
    %dma_start3A_103 = arith.constant 0 : i32
    %dma_start3A_104 = arith.constant 0 : i32
    %dma_start3A_105 = tpu.memref_slice %arg3[%dma_start3A_103, %dma_start3A_104] : memref<1000000x32xf32, #tpu.memory_space<hbm>> -> memref<1000000x32xf32, #tpu.memory_space<hbm>>
    tpu.enqueue_indirect_dma source(%dma_start3A_105 : memref<1000000x32xf32, #tpu.memory_space<hbm>>) target(%dma_start3A_99 : memref<50x32xf32, #tpu.memory_space<vmem>>) offsets(%dma_start3A_102 : memref<50xi32, #tpu.memory_space<vmem>>) semaphore(%arg7 : memref<!tpu.dma_semaphore, #tpu.memory_space<semaphore_mem>>)
    %dma_start3A_106 = arith.constant 8 : i32
    %dma_start3A_107 = arith.constant 0 : i32
    %dma_start3A_108 = arith.constant 8 : i32
    %dma_start3A_109 = arith.constant 0 : i32
    %dma_start3A_110 = arith.constant 0 : i32
    %dma_start3A_111 = tpu.memref_slice %arg6[%dma_start3A_107, %dma_start3A_108, %dma_start3A_109, %dma_start3A_110] : memref<2x16x50x32xf32, #tpu.memory_space<vmem>> -> memref<1x1x50x32xf32, #tpu.memory_space<vmem>>
    %dma_start3A_112 = tpu.memref_squeeze %dma_start3A_111 : memref<1x1x50x32xf32, #tpu.memory_space<vmem>> -> memref<50x32xf32, #tpu.memory_space<vmem>>
    %dma_start3A_113 = arith.constant 0 : i32
    %dma_start3A_114 = tpu.memref_slice %arg5[%dma_start3A_106, %dma_start3A_113] : memref<512x50xi32, #tpu.memory_space<vmem>> -> memref<1x50xi32, #tpu.memory_space<vmem>>
    %dma_start3A_115 = tpu.memref_squeeze %dma_start3A_114 : memref<1x50xi32, #tpu.memory_space<vmem>> -> memref<50xi32, #tpu.memory_space<vmem>>
    %dma_start3A_116 = arith.constant 0 : i32
    %dma_start3A_117 = arith.constant 0 : i32
    %dma_start3A_118 = tpu.memref_slice %arg3[%dma_start3A_116, %dma_start3A_117] : memref<1000000x32xf32, #tpu.memory_space<hbm>> -> memref<1000000x32xf32, #tpu.memory_space<hbm>>
    tpu.enqueue_indirect_dma source(%dma_start3A_118 : memref<1000000x32xf32, #tpu.memory_space<hbm>>) target(%dma_start3A_112 : memref<50x32xf32, #tpu.memory_space<vmem>>) offsets(%dma_start3A_115 : memref<50xi32, #tpu.memory_space<vmem>>) semaphore(%arg7 : memref<!tpu.dma_semaphore, #tpu.memory_space<semaphore_mem>>)
    %dma_start3A_119 = arith.constant 9 : i32
    %dma_start3A_120 = arith.constant 0 : i32
    %dma_start3A_121 = arith.constant 9 : i32
    %dma_start3A_122 = arith.constant 0 : i32
    %dma_start3A_123 = arith.constant 0 : i32
    %dma_start3A_124 = tpu.memref_slice %arg6[%dma_start3A_120, %dma_start3A_121, %dma_start3A_122, %dma_start3A_123] : memref<2x16x50x32xf32, #tpu.memory_space<vmem>> -> memref<1x1x50x32xf32, #tpu.memory_space<vmem>>
    %dma_start3A_125 = tpu.memref_squeeze %dma_start3A_124 : memref<1x1x50x32xf32, #tpu.memory_space<vmem>> -> memref<50x32xf32, #tpu.memory_space<vmem>>
    %dma_start3A_126 = arith.constant 0 : i32
    %dma_start3A_127 = tpu.memref_slice %arg5[%dma_start3A_119, %dma_start3A_126] : memref<512x50xi32, #tpu.memory_space<vmem>> -> memref<1x50xi32, #tpu.memory_space<vmem>>
    %dma_start3A_128 = tpu.memref_squeeze %dma_start3A_127 : memref<1x50xi32, #tpu.memory_space<vmem>> -> memref<50xi32, #tpu.memory_space<vmem>>
    %dma_start3A_129 = arith.constant 0 : i32
    %dma_start3A_130 = arith.constant 0 : i32
    %dma_start3A_131 = tpu.memref_slice %arg3[%dma_start3A_129, %dma_start3A_130] : memref<1000000x32xf32, #tpu.memory_space<hbm>> -> memref<1000000x32xf32, #tpu.memory_space<hbm>>
    tpu.enqueue_indirect_dma source(%dma_start3A_131 : memref<1000000x32xf32, #tpu.memory_space<hbm>>) target(%dma_start3A_125 : memref<50x32xf32, #tpu.memory_space<vmem>>) offsets(%dma_start3A_128 : memref<50xi32, #tpu.memory_space<vmem>>) semaphore(%arg7 : memref<!tpu.dma_semaphore, #tpu.memory_space<semaphore_mem>>)
    %dma_start3A_132 = arith.constant 10 : i32
    %dma_start3A_133 = arith.constant 0 : i32
    %dma_start3A_134 = arith.constant 10 : i32
    %dma_start3A_135 = arith.constant 0 : i32
    %dma_start3A_136 = arith.constant 0 : i32
    %dma_start3A_137 = tpu.memref_slice %arg6[%dma_start3A_133, %dma_start3A_134, %dma_start3A_135, %dma_start3A_136] : memref<2x16x50x32xf32, #tpu.memory_space<vmem>> -> memref<1x1x50x32xf32, #tpu.memory_space<vmem>>
    %dma_start3A_138 = tpu.memref_squeeze %dma_start3A_137 : memref<1x1x50x32xf32, #tpu.memory_space<vmem>> -> memref<50x32xf32, #tpu.memory_space<vmem>>
    %dma_start3A_139 = arith.constant 0 : i32
    %dma_start3A_140 = tpu.memref_slice %arg5[%dma_start3A_132, %dma_start3A_139] : memref<512x50xi32, #tpu.memory_space<vmem>> -> memref<1x50xi32, #tpu.memory_space<vmem>>
    %dma_start3A_141 = tpu.memref_squeeze %dma_start3A_140 : memref<1x50xi32, #tpu.memory_space<vmem>> -> memref<50xi32, #tpu.memory_space<vmem>>
    %dma_start3A_142 = arith.constant 0 : i32
    %dma_start3A_143 = arith.constant 0 : i32
    %dma_start3A_144 = tpu.memref_slice %arg3[%dma_start3A_142, %dma_start3A_143] : memref<1000000x32xf32, #tpu.memory_space<hbm>> -> memref<1000000x32xf32, #tpu.memory_space<hbm>>
    tpu.enqueue_indirect_dma source(%dma_start3A_144 : memref<1000000x32xf32, #tpu.memory_space<hbm>>) target(%dma_start3A_138 : memref<50x32xf32, #tpu.memory_space<vmem>>) offsets(%dma_start3A_141 : memref<50xi32, #tpu.memory_space<vmem>>) semaphore(%arg7 : memref<!tpu.dma_semaphore, #tpu.memory_space<semaphore_mem>>)
    %dma_start3A_145 = arith.constant 11 : i32
    %dma_start3A_146 = arith.constant 0 : i32
    %dma_start3A_147 = arith.constant 11 : i32
    %dma_start3A_148 = arith.constant 0 : i32
    %dma_start3A_149 = arith.constant 0 : i32
    %dma_start3A_150 = tpu.memref_slice %arg6[%dma_start3A_146, %dma_start3A_147, %dma_start3A_148, %dma_start3A_149] : memref<2x16x50x32xf32, #tpu.memory_space<vmem>> -> memref<1x1x50x32xf32, #tpu.memory_space<vmem>>
    %dma_start3A_151 = tpu.memref_squeeze %dma_start3A_150 : memref<1x1x50x32xf32, #tpu.memory_space<vmem>> -> memref<50x32xf32, #tpu.memory_space<vmem>>
    %dma_start3A_152 = arith.constant 0 : i32
    %dma_start3A_153 = tpu.memref_slice %arg5[%dma_start3A_145, %dma_start3A_152] : memref<512x50xi32, #tpu.memory_space<vmem>> -> memref<1x50xi32, #tpu.memory_space<vmem>>
    %dma_start3A_154 = tpu.memref_squeeze %dma_start3A_153 : memref<1x50xi32, #tpu.memory_space<vmem>> -> memref<50xi32, #tpu.memory_space<vmem>>
    %dma_start3A_155 = arith.constant 0 : i32
    %dma_start3A_156 = arith.constant 0 : i32
    %dma_start3A_157 = tpu.memref_slice %arg3[%dma_start3A_155, %dma_start3A_156] : memref<1000000x32xf32, #tpu.memory_space<hbm>> -> memref<1000000x32xf32, #tpu.memory_space<hbm>>
    tpu.enqueue_indirect_dma source(%dma_start3A_157 : memref<1000000x32xf32, #tpu.memory_space<hbm>>) target(%dma_start3A_151 : memref<50x32xf32, #tpu.memory_space<vmem>>) offsets(%dma_start3A_154 : memref<50xi32, #tpu.memory_space<vmem>>) semaphore(%arg7 : memref<!tpu.dma_semaphore, #tpu.memory_space<semaphore_mem>>)
    %dma_start3A_158 = arith.constant 12 : i32
    %dma_start3A_159 = arith.constant 0 : i32
    %dma_start3A_160 = arith.constant 12 : i32
    %dma_start3A_161 = arith.constant 0 : i32
    %dma_start3A_162 = arith.constant 0 : i32
    %dma_start3A_163 = tpu.memref_slice %arg6[%dma_start3A_159, %dma_start3A_160, %dma_start3A_161, %dma_start3A_162] : memref<2x16x50x32xf32, #tpu.memory_space<vmem>> -> memref<1x1x50x32xf32, #tpu.memory_space<vmem>>
    %dma_start3A_164 = tpu.memref_squeeze %dma_start3A_163 : memref<1x1x50x32xf32, #tpu.memory_space<vmem>> -> memref<50x32xf32, #tpu.memory_space<vmem>>
    %dma_start3A_165 = arith.constant 0 : i32
    %dma_start3A_166 = tpu.memref_slice %arg5[%dma_start3A_158, %dma_start3A_165] : memref<512x50xi32, #tpu.memory_space<vmem>> -> memref<1x50xi32, #tpu.memory_space<vmem>>
    %dma_start3A_167 = tpu.memref_squeeze %dma_start3A_166 : memref<1x50xi32, #tpu.memory_space<vmem>> -> memref<50xi32, #tpu.memory_space<vmem>>
    %dma_start3A_168 = arith.constant 0 : i32
    %dma_start3A_169 = arith.constant 0 : i32
    %dma_start3A_170 = tpu.memref_slice %arg3[%dma_start3A_168, %dma_start3A_169] : memref<1000000x32xf32, #tpu.memory_space<hbm>> -> memref<1000000x32xf32, #tpu.memory_space<hbm>>
    tpu.enqueue_indirect_dma source(%dma_start3A_170 : memref<1000000x32xf32, #tpu.memory_space<hbm>>) target(%dma_start3A_164 : memref<50x32xf32, #tpu.memory_space<vmem>>) offsets(%dma_start3A_167 : memref<50xi32, #tpu.memory_space<vmem>>) semaphore(%arg7 : memref<!tpu.dma_semaphore, #tpu.memory_space<semaphore_mem>>)
    %dma_start3A_171 = arith.constant 13 : i32
    %dma_start3A_172 = arith.constant 0 : i32
    %dma_start3A_173 = arith.constant 13 : i32
    %dma_start3A_174 = arith.constant 0 : i32
    %dma_start3A_175 = arith.constant 0 : i32
    %dma_start3A_176 = tpu.memref_slice %arg6[%dma_start3A_172, %dma_start3A_173, %dma_start3A_174, %dma_start3A_175] : memref<2x16x50x32xf32, #tpu.memory_space<vmem>> -> memref<1x1x50x32xf32, #tpu.memory_space<vmem>>
    %dma_start3A_177 = tpu.memref_squeeze %dma_start3A_176 : memref<1x1x50x32xf32, #tpu.memory_space<vmem>> -> memref<50x32xf32, #tpu.memory_space<vmem>>
    %dma_start3A_178 = arith.constant 0 : i32
    %dma_start3A_179 = tpu.memref_slice %arg5[%dma_start3A_171, %dma_start3A_178] : memref<512x50xi32, #tpu.memory_space<vmem>> -> memref<1x50xi32, #tpu.memory_space<vmem>>
    %dma_start3A_180 = tpu.memref_squeeze %dma_start3A_179 : memref<1x50xi32, #tpu.memory_space<vmem>> -> memref<50xi32, #tpu.memory_space<vmem>>
    %dma_start3A_181 = arith.constant 0 : i32
    %dma_start3A_182 = arith.constant 0 : i32
    %dma_start3A_183 = tpu.memref_slice %arg3[%dma_start3A_181, %dma_start3A_182] : memref<1000000x32xf32, #tpu.memory_space<hbm>> -> memref<1000000x32xf32, #tpu.memory_space<hbm>>
    tpu.enqueue_indirect_dma source(%dma_start3A_183 : memref<1000000x32xf32, #tpu.memory_space<hbm>>) target(%dma_start3A_177 : memref<50x32xf32, #tpu.memory_space<vmem>>) offsets(%dma_start3A_180 : memref<50xi32, #tpu.memory_space<vmem>>) semaphore(%arg7 : memref<!tpu.dma_semaphore, #tpu.memory_space<semaphore_mem>>)
    %dma_start3A_184 = arith.constant 14 : i32
    %dma_start3A_185 = arith.constant 0 : i32
    %dma_start3A_186 = arith.constant 14 : i32
    %dma_start3A_187 = arith.constant 0 : i32
    %dma_start3A_188 = arith.constant 0 : i32
    %dma_start3A_189 = tpu.memref_slice %arg6[%dma_start3A_185, %dma_start3A_186, %dma_start3A_187, %dma_start3A_188] : memref<2x16x50x32xf32, #tpu.memory_space<vmem>> -> memref<1x1x50x32xf32, #tpu.memory_space<vmem>>
    %dma_start3A_190 = tpu.memref_squeeze %dma_start3A_189 : memref<1x1x50x32xf32, #tpu.memory_space<vmem>> -> memref<50x32xf32, #tpu.memory_space<vmem>>
    %dma_start3A_191 = arith.constant 0 : i32
    %dma_start3A_192 = tpu.memref_slice %arg5[%dma_start3A_184, %dma_start3A_191] : memref<512x50xi32, #tpu.memory_space<vmem>> -> memref<1x50xi32, #tpu.memory_space<vmem>>
    %dma_start3A_193 = tpu.memref_squeeze %dma_start3A_192 : memref<1x50xi32, #tpu.memory_space<vmem>> -> memref<50xi32, #tpu.memory_space<vmem>>
    %dma_start3A_194 = arith.constant 0 : i32
    %dma_start3A_195 = arith.constant 0 : i32
    %dma_start3A_196 = tpu.memref_slice %arg3[%dma_start3A_194, %dma_start3A_195] : memref<1000000x32xf32, #tpu.memory_space<hbm>> -> memref<1000000x32xf32, #tpu.memory_space<hbm>>
    tpu.enqueue_indirect_dma source(%dma_start3A_196 : memref<1000000x32xf32, #tpu.memory_space<hbm>>) target(%dma_start3A_190 : memref<50x32xf32, #tpu.memory_space<vmem>>) offsets(%dma_start3A_193 : memref<50xi32, #tpu.memory_space<vmem>>) semaphore(%arg7 : memref<!tpu.dma_semaphore, #tpu.memory_space<semaphore_mem>>)
    %dma_start3A_197 = arith.constant 15 : i32
    %dma_start3A_198 = arith.constant 0 : i32
    %dma_start3A_199 = arith.constant 15 : i32
    %dma_start3A_200 = arith.constant 0 : i32
    %dma_start3A_201 = arith.constant 0 : i32
    %dma_start3A_202 = tpu.memref_slice %arg6[%dma_start3A_198, %dma_start3A_199, %dma_start3A_200, %dma_start3A_201] : memref<2x16x50x32xf32, #tpu.memory_space<vmem>> -> memref<1x1x50x32xf32, #tpu.memory_space<vmem>>
    %dma_start3A_203 = tpu.memref_squeeze %dma_start3A_202 : memref<1x1x50x32xf32, #tpu.memory_space<vmem>> -> memref<50x32xf32, #tpu.memory_space<vmem>>
    %dma_start3A_204 = arith.constant 0 : i32
    %dma_start3A_205 = tpu.memref_slice %arg5[%dma_start3A_197, %dma_start3A_204] : memref<512x50xi32, #tpu.memory_space<vmem>> -> memref<1x50xi32, #tpu.memory_space<vmem>>
    %dma_start3A_206 = tpu.memref_squeeze %dma_start3A_205 : memref<1x50xi32, #tpu.memory_space<vmem>> -> memref<50xi32, #tpu.memory_space<vmem>>
    %dma_start3A_207 = arith.constant 0 : i32
    %dma_start3A_208 = arith.constant 0 : i32
    %dma_start3A_209 = tpu.memref_slice %arg3[%dma_start3A_207, %dma_start3A_208] : memref<1000000x32xf32, #tpu.memory_space<hbm>> -> memref<1000000x32xf32, #tpu.memory_space<hbm>>
    tpu.enqueue_indirect_dma source(%dma_start3A_209 : memref<1000000x32xf32, #tpu.memory_space<hbm>>) target(%dma_start3A_203 : memref<50x32xf32, #tpu.memory_space<vmem>>) offsets(%dma_start3A_206 : memref<50xi32, #tpu.memory_space<vmem>>) semaphore(%arg7 : memref<!tpu.dma_semaphore, #tpu.memory_space<semaphore_mem>>)
    %scan3A = arith.constant 0 : i32
    %scan3A_210 = arith.constant 0 : i32
    %scan3A_211 = arith.constant 32 : i32
    %scan3A_212 = arith.addi %scan3A_210, %scan3A_211 : i32
    %scan3A_213 = arith.constant 1 : i32
    scf.for %scan3A_234 = %scan3A_210 to %scan3A_212 step %scan3A_213  : i32 {
      %rem3A_235 = arith.constant 2 : i32
      %rem3A_236 = arith.remsi %scan3A_234, %rem3A_235 : i32
      %ge3A = arith.constant 1 : i32
      %ge3A_237 = arith.cmpi sge, %scan3A_234, %ge3A : i32
      %convert_element_type3A = arith.extui %ge3A_237 : i1 to i32
      %cond3A = arith.constant 0 : i32
      %cond3A_238 = arith.cmpi ne, %convert_element_type3A, %cond3A : i32
      scf.if %cond3A_238 {
        %sub3A = arith.constant 1 : i32
        %sub3A_504 = arith.subi %scan3A_234, %sub3A : i32
        %sub3A_505 = arith.constant 1 : i32
        %sub3A_506 = arith.subi %sub3A_505, %rem3A_236 : i32
        %mul3A_507 = arith.constant 16 : i32
        %mul3A_508 = arith.muli %sub3A_504, %mul3A_507 : i32
        %add3A_509 = arith.addi %mul3A_2, %mul3A_508 : i32
        %dma_wait3A_510 = arith.constant 0 : i32
        %dma_wait3A_511 = arith.constant 0 : i32
        %dma_wait3A_512 = arith.constant 0 : i32
        %dma_wait3A_513 = tpu.memref_slice %arg6[%sub3A_506, %dma_wait3A_510, %dma_wait3A_511, %dma_wait3A_512] : memref<2x16x50x32xf32, #tpu.memory_space<vmem>> -> memref<1x16x50x32xf32, #tpu.memory_space<vmem>>
        %dma_wait3A_514 = tpu.memref_squeeze %dma_wait3A_513 : memref<1x16x50x32xf32, #tpu.memory_space<vmem>> -> memref<16x50x32xf32, #tpu.memory_space<vmem>>
        %dma_wait3A_515 = arith.constant 0 : i32
        %dma_wait3A_516 = arith.constant 0 : i32
        %dma_wait3A_517 = tpu.memref_slice %arg4[%add3A_509, %dma_wait3A_515, %dma_wait3A_516] : memref<16384x50x32xf32, #tpu.memory_space<hbm>> -> memref<16x50x32xf32, #tpu.memory_space<hbm>>
        %dma_wait3A_518 = arith.constant 0 : i32
        %dma_wait3A_519 = arith.constant 0 : i32
        %dma_wait3A_520 = tpu.memref_slice %arg4[%add3A_509, %dma_wait3A_518, %dma_wait3A_519] : memref<16384x50x32xf32, #tpu.memory_space<hbm>> -> memref<16x50x32xf32, #tpu.memory_space<hbm>>
        %dma_wait3A_521 = arith.constant 0 : i32
        %dma_wait3A_522 = arith.constant 0 : i32
        %dma_wait3A_523 = arith.constant 0 : i32
        %dma_wait3A_524 = tpu.memref_slice %arg6[%sub3A_506, %dma_wait3A_521, %dma_wait3A_522, %dma_wait3A_523] : memref<2x16x50x32xf32, #tpu.memory_space<vmem>> -> memref<1x16x50x32xf32, #tpu.memory_space<vmem>>
        %dma_wait3A_525 = tpu.memref_squeeze %dma_wait3A_524 : memref<1x16x50x32xf32, #tpu.memory_space<vmem>> -> memref<16x50x32xf32, #tpu.memory_space<vmem>>
        tpu.wait_dma2 semaphore(%arg8 : memref<!tpu.dma_semaphore, #tpu.memory_space<semaphore_mem>>) src(%dma_wait3A_525 : memref<16x50x32xf32, #tpu.memory_space<vmem>>) dst(%dma_wait3A_520 : memref<16x50x32xf32, #tpu.memory_space<hbm>>)
      } else {
      }
      %add3A_239 = arith.constant 1 : i32
      %add3A_240 = arith.addi %scan3A_234, %add3A_239 : i32
      %lt3A = arith.constant 32 : i32
      %lt3A_241 = arith.cmpi slt, %add3A_240, %lt3A : i32
      %convert_element_type3A_242 = arith.extui %lt3A_241 : i1 to i32
      %cond3A_243 = arith.constant 0 : i32
      %cond3A_244 = arith.cmpi ne, %convert_element_type3A_242, %cond3A_243 : i32
      scf.if %cond3A_244 {
        %add3A_504 = arith.constant 1 : i32
        %add3A_505 = arith.addi %scan3A_234, %add3A_504 : i32
        %sub3A = arith.constant 1 : i32
        %sub3A_506 = arith.subi %sub3A, %rem3A_236 : i32
        %mul3A_507 = arith.constant 16 : i32
        %mul3A_508 = arith.muli %add3A_505, %mul3A_507 : i32
        %add3A_509 = arith.constant 0 : i32
        %add3A_510 = arith.addi %mul3A_508, %add3A_509 : i32
        %mul3A_511 = arith.constant 16 : i32
        %mul3A_512 = arith.muli %add3A_505, %mul3A_511 : i32
        %add3A_513 = arith.constant 1 : i32
        %add3A_514 = arith.addi %mul3A_512, %add3A_513 : i32
        %mul3A_515 = arith.constant 16 : i32
        %mul3A_516 = arith.muli %add3A_505, %mul3A_515 : i32
        %add3A_517 = arith.constant 2 : i32
        %add3A_518 = arith.addi %mul3A_516, %add3A_517 : i32
        %mul3A_519 = arith.constant 16 : i32
        %mul3A_520 = arith.muli %add3A_505, %mul3A_519 : i32
        %add3A_521 = arith.constant 3 : i32
        %add3A_522 = arith.addi %mul3A_520, %add3A_521 : i32
        %mul3A_523 = arith.constant 16 : i32
        %mul3A_524 = arith.muli %add3A_505, %mul3A_523 : i32
        %add3A_525 = arith.constant 4 : i32
        %add3A_526 = arith.addi %mul3A_524, %add3A_525 : i32
        %mul3A_527 = arith.constant 16 : i32
        %mul3A_528 = arith.muli %add3A_505, %mul3A_527 : i32
        %add3A_529 = arith.constant 5 : i32
        %add3A_530 = arith.addi %mul3A_528, %add3A_529 : i32
        %mul3A_531 = arith.constant 16 : i32
        %mul3A_532 = arith.muli %add3A_505, %mul3A_531 : i32
        %add3A_533 = arith.constant 6 : i32
        %add3A_534 = arith.addi %mul3A_532, %add3A_533 : i32
        %mul3A_535 = arith.constant 16 : i32
        %mul3A_536 = arith.muli %add3A_505, %mul3A_535 : i32
        %add3A_537 = arith.constant 7 : i32
        %add3A_538 = arith.addi %mul3A_536, %add3A_537 : i32
        %mul3A_539 = arith.constant 16 : i32
        %mul3A_540 = arith.muli %add3A_505, %mul3A_539 : i32
        %add3A_541 = arith.constant 8 : i32
        %add3A_542 = arith.addi %mul3A_540, %add3A_541 : i32
        %mul3A_543 = arith.constant 16 : i32
        %mul3A_544 = arith.muli %add3A_505, %mul3A_543 : i32
        %add3A_545 = arith.constant 9 : i32
        %add3A_546 = arith.addi %mul3A_544, %add3A_545 : i32
        %mul3A_547 = arith.constant 16 : i32
        %mul3A_548 = arith.muli %add3A_505, %mul3A_547 : i32
        %add3A_549 = arith.constant 10 : i32
        %add3A_550 = arith.addi %mul3A_548, %add3A_549 : i32
        %mul3A_551 = arith.constant 16 : i32
        %mul3A_552 = arith.muli %add3A_505, %mul3A_551 : i32
        %add3A_553 = arith.constant 11 : i32
        %add3A_554 = arith.addi %mul3A_552, %add3A_553 : i32
        %mul3A_555 = arith.constant 16 : i32
        %mul3A_556 = arith.muli %add3A_505, %mul3A_555 : i32
        %add3A_557 = arith.constant 12 : i32
        %add3A_558 = arith.addi %mul3A_556, %add3A_557 : i32
        %mul3A_559 = arith.constant 16 : i32
        %mul3A_560 = arith.muli %add3A_505, %mul3A_559 : i32
        %add3A_561 = arith.constant 13 : i32
        %add3A_562 = arith.addi %mul3A_560, %add3A_561 : i32
        %mul3A_563 = arith.constant 16 : i32
        %mul3A_564 = arith.muli %add3A_505, %mul3A_563 : i32
        %add3A_565 = arith.constant 14 : i32
        %add3A_566 = arith.addi %mul3A_564, %add3A_565 : i32
        %mul3A_567 = arith.constant 16 : i32
        %mul3A_568 = arith.muli %add3A_505, %mul3A_567 : i32
        %add3A_569 = arith.constant 15 : i32
        %add3A_570 = arith.addi %mul3A_568, %add3A_569 : i32
        %dma_start3A_571 = arith.constant 0 : i32
        %dma_start3A_572 = arith.constant 0 : i32
        %dma_start3A_573 = arith.constant 0 : i32
        %dma_start3A_574 = tpu.memref_slice %arg6[%sub3A_506, %dma_start3A_571, %dma_start3A_572, %dma_start3A_573] : memref<2x16x50x32xf32, #tpu.memory_space<vmem>> -> memref<1x1x50x32xf32, #tpu.memory_space<vmem>>
        %dma_start3A_575 = tpu.memref_squeeze %dma_start3A_574 : memref<1x1x50x32xf32, #tpu.memory_space<vmem>> -> memref<50x32xf32, #tpu.memory_space<vmem>>
        %dma_start3A_576 = arith.constant 0 : i32
        %dma_start3A_577 = tpu.memref_slice %arg5[%add3A_510, %dma_start3A_576] : memref<512x50xi32, #tpu.memory_space<vmem>> -> memref<1x50xi32, #tpu.memory_space<vmem>>
        %dma_start3A_578 = tpu.memref_squeeze %dma_start3A_577 : memref<1x50xi32, #tpu.memory_space<vmem>> -> memref<50xi32, #tpu.memory_space<vmem>>
        %dma_start3A_579 = arith.constant 0 : i32
        %dma_start3A_580 = arith.constant 0 : i32
        %dma_start3A_581 = tpu.memref_slice %arg3[%dma_start3A_579, %dma_start3A_580] : memref<1000000x32xf32, #tpu.memory_space<hbm>> -> memref<1000000x32xf32, #tpu.memory_space<hbm>>
        tpu.enqueue_indirect_dma source(%dma_start3A_581 : memref<1000000x32xf32, #tpu.memory_space<hbm>>) target(%dma_start3A_575 : memref<50x32xf32, #tpu.memory_space<vmem>>) offsets(%dma_start3A_578 : memref<50xi32, #tpu.memory_space<vmem>>) semaphore(%arg7 : memref<!tpu.dma_semaphore, #tpu.memory_space<semaphore_mem>>)
        %dma_start3A_582 = arith.constant 1 : i32
        %dma_start3A_583 = arith.constant 0 : i32
        %dma_start3A_584 = arith.constant 0 : i32
        %dma_start3A_585 = tpu.memref_slice %arg6[%sub3A_506, %dma_start3A_582, %dma_start3A_583, %dma_start3A_584] : memref<2x16x50x32xf32, #tpu.memory_space<vmem>> -> memref<1x1x50x32xf32, #tpu.memory_space<vmem>>
        %dma_start3A_586 = tpu.memref_squeeze %dma_start3A_585 : memref<1x1x50x32xf32, #tpu.memory_space<vmem>> -> memref<50x32xf32, #tpu.memory_space<vmem>>
        %dma_start3A_587 = arith.constant 0 : i32
        %dma_start3A_588 = tpu.memref_slice %arg5[%add3A_514, %dma_start3A_587] : memref<512x50xi32, #tpu.memory_space<vmem>> -> memref<1x50xi32, #tpu.memory_space<vmem>>
        %dma_start3A_589 = tpu.memref_squeeze %dma_start3A_588 : memref<1x50xi32, #tpu.memory_space<vmem>> -> memref<50xi32, #tpu.memory_space<vmem>>
        %dma_start3A_590 = arith.constant 0 : i32
        %dma_start3A_591 = arith.constant 0 : i32
        %dma_start3A_592 = tpu.memref_slice %arg3[%dma_start3A_590, %dma_start3A_591] : memref<1000000x32xf32, #tpu.memory_space<hbm>> -> memref<1000000x32xf32, #tpu.memory_space<hbm>>
        tpu.enqueue_indirect_dma source(%dma_start3A_592 : memref<1000000x32xf32, #tpu.memory_space<hbm>>) target(%dma_start3A_586 : memref<50x32xf32, #tpu.memory_space<vmem>>) offsets(%dma_start3A_589 : memref<50xi32, #tpu.memory_space<vmem>>) semaphore(%arg7 : memref<!tpu.dma_semaphore, #tpu.memory_space<semaphore_mem>>)
        %dma_start3A_593 = arith.constant 2 : i32
        %dma_start3A_594 = arith.constant 0 : i32
        %dma_start3A_595 = arith.constant 0 : i32
        %dma_start3A_596 = tpu.memref_slice %arg6[%sub3A_506, %dma_start3A_593, %dma_start3A_594, %dma_start3A_595] : memref<2x16x50x32xf32, #tpu.memory_space<vmem>> -> memref<1x1x50x32xf32, #tpu.memory_space<vmem>>
        %dma_start3A_597 = tpu.memref_squeeze %dma_start3A_596 : memref<1x1x50x32xf32, #tpu.memory_space<vmem>> -> memref<50x32xf32, #tpu.memory_space<vmem>>
        %dma_start3A_598 = arith.constant 0 : i32
        %dma_start3A_599 = tpu.memref_slice %arg5[%add3A_518, %dma_start3A_598] : memref<512x50xi32, #tpu.memory_space<vmem>> -> memref<1x50xi32, #tpu.memory_space<vmem>>
        %dma_start3A_600 = tpu.memref_squeeze %dma_start3A_599 : memref<1x50xi32, #tpu.memory_space<vmem>> -> memref<50xi32, #tpu.memory_space<vmem>>
        %dma_start3A_601 = arith.constant 0 : i32
        %dma_start3A_602 = arith.constant 0 : i32
        %dma_start3A_603 = tpu.memref_slice %arg3[%dma_start3A_601, %dma_start3A_602] : memref<1000000x32xf32, #tpu.memory_space<hbm>> -> memref<1000000x32xf32, #tpu.memory_space<hbm>>
        tpu.enqueue_indirect_dma source(%dma_start3A_603 : memref<1000000x32xf32, #tpu.memory_space<hbm>>) target(%dma_start3A_597 : memref<50x32xf32, #tpu.memory_space<vmem>>) offsets(%dma_start3A_600 : memref<50xi32, #tpu.memory_space<vmem>>) semaphore(%arg7 : memref<!tpu.dma_semaphore, #tpu.memory_space<semaphore_mem>>)
        %dma_start3A_604 = arith.constant 3 : i32
        %dma_start3A_605 = arith.constant 0 : i32
        %dma_start3A_606 = arith.constant 0 : i32
        %dma_start3A_607 = tpu.memref_slice %arg6[%sub3A_506, %dma_start3A_604, %dma_start3A_605, %dma_start3A_606] : memref<2x16x50x32xf32, #tpu.memory_space<vmem>> -> memref<1x1x50x32xf32, #tpu.memory_space<vmem>>
        %dma_start3A_608 = tpu.memref_squeeze %dma_start3A_607 : memref<1x1x50x32xf32, #tpu.memory_space<vmem>> -> memref<50x32xf32, #tpu.memory_space<vmem>>
        %dma_start3A_609 = arith.constant 0 : i32
        %dma_start3A_610 = tpu.memref_slice %arg5[%add3A_522, %dma_start3A_609] : memref<512x50xi32, #tpu.memory_space<vmem>> -> memref<1x50xi32, #tpu.memory_space<vmem>>
        %dma_start3A_611 = tpu.memref_squeeze %dma_start3A_610 : memref<1x50xi32, #tpu.memory_space<vmem>> -> memref<50xi32, #tpu.memory_space<vmem>>
        %dma_start3A_612 = arith.constant 0 : i32
        %dma_start3A_613 = arith.constant 0 : i32
        %dma_start3A_614 = tpu.memref_slice %arg3[%dma_start3A_612, %dma_start3A_613] : memref<1000000x32xf32, #tpu.memory_space<hbm>> -> memref<1000000x32xf32, #tpu.memory_space<hbm>>
        tpu.enqueue_indirect_dma source(%dma_start3A_614 : memref<1000000x32xf32, #tpu.memory_space<hbm>>) target(%dma_start3A_608 : memref<50x32xf32, #tpu.memory_space<vmem>>) offsets(%dma_start3A_611 : memref<50xi32, #tpu.memory_space<vmem>>) semaphore(%arg7 : memref<!tpu.dma_semaphore, #tpu.memory_space<semaphore_mem>>)
        %dma_start3A_615 = arith.constant 4 : i32
        %dma_start3A_616 = arith.constant 0 : i32
        %dma_start3A_617 = arith.constant 0 : i32
        %dma_start3A_618 = tpu.memref_slice %arg6[%sub3A_506, %dma_start3A_615, %dma_start3A_616, %dma_start3A_617] : memref<2x16x50x32xf32, #tpu.memory_space<vmem>> -> memref<1x1x50x32xf32, #tpu.memory_space<vmem>>
        %dma_start3A_619 = tpu.memref_squeeze %dma_start3A_618 : memref<1x1x50x32xf32, #tpu.memory_space<vmem>> -> memref<50x32xf32, #tpu.memory_space<vmem>>
        %dma_start3A_620 = arith.constant 0 : i32
        %dma_start3A_621 = tpu.memref_slice %arg5[%add3A_526, %dma_start3A_620] : memref<512x50xi32, #tpu.memory_space<vmem>> -> memref<1x50xi32, #tpu.memory_space<vmem>>
        %dma_start3A_622 = tpu.memref_squeeze %dma_start3A_621 : memref<1x50xi32, #tpu.memory_space<vmem>> -> memref<50xi32, #tpu.memory_space<vmem>>
        %dma_start3A_623 = arith.constant 0 : i32
        %dma_start3A_624 = arith.constant 0 : i32
        %dma_start3A_625 = tpu.memref_slice %arg3[%dma_start3A_623, %dma_start3A_624] : memref<1000000x32xf32, #tpu.memory_space<hbm>> -> memref<1000000x32xf32, #tpu.memory_space<hbm>>
        tpu.enqueue_indirect_dma source(%dma_start3A_625 : memref<1000000x32xf32, #tpu.memory_space<hbm>>) target(%dma_start3A_619 : memref<50x32xf32, #tpu.memory_space<vmem>>) offsets(%dma_start3A_622 : memref<50xi32, #tpu.memory_space<vmem>>) semaphore(%arg7 : memref<!tpu.dma_semaphore, #tpu.memory_space<semaphore_mem>>)
        %dma_start3A_626 = arith.constant 5 : i32
        %dma_start3A_627 = arith.constant 0 : i32
        %dma_start3A_628 = arith.constant 0 : i32
        %dma_start3A_629 = tpu.memref_slice %arg6[%sub3A_506, %dma_start3A_626, %dma_start3A_627, %dma_start3A_628] : memref<2x16x50x32xf32, #tpu.memory_space<vmem>> -> memref<1x1x50x32xf32, #tpu.memory_space<vmem>>
        %dma_start3A_630 = tpu.memref_squeeze %dma_start3A_629 : memref<1x1x50x32xf32, #tpu.memory_space<vmem>> -> memref<50x32xf32, #tpu.memory_space<vmem>>
        %dma_start3A_631 = arith.constant 0 : i32
        %dma_start3A_632 = tpu.memref_slice %arg5[%add3A_530, %dma_start3A_631] : memref<512x50xi32, #tpu.memory_space<vmem>> -> memref<1x50xi32, #tpu.memory_space<vmem>>
        %dma_start3A_633 = tpu.memref_squeeze %dma_start3A_632 : memref<1x50xi32, #tpu.memory_space<vmem>> -> memref<50xi32, #tpu.memory_space<vmem>>
        %dma_start3A_634 = arith.constant 0 : i32
        %dma_start3A_635 = arith.constant 0 : i32
        %dma_start3A_636 = tpu.memref_slice %arg3[%dma_start3A_634, %dma_start3A_635] : memref<1000000x32xf32, #tpu.memory_space<hbm>> -> memref<1000000x32xf32, #tpu.memory_space<hbm>>
        tpu.enqueue_indirect_dma source(%dma_start3A_636 : memref<1000000x32xf32, #tpu.memory_space<hbm>>) target(%dma_start3A_630 : memref<50x32xf32, #tpu.memory_space<vmem>>) offsets(%dma_start3A_633 : memref<50xi32, #tpu.memory_space<vmem>>) semaphore(%arg7 : memref<!tpu.dma_semaphore, #tpu.memory_space<semaphore_mem>>)
        %dma_start3A_637 = arith.constant 6 : i32
        %dma_start3A_638 = arith.constant 0 : i32
        %dma_start3A_639 = arith.constant 0 : i32
        %dma_start3A_640 = tpu.memref_slice %arg6[%sub3A_506, %dma_start3A_637, %dma_start3A_638, %dma_start3A_639] : memref<2x16x50x32xf32, #tpu.memory_space<vmem>> -> memref<1x1x50x32xf32, #tpu.memory_space<vmem>>
        %dma_start3A_641 = tpu.memref_squeeze %dma_start3A_640 : memref<1x1x50x32xf32, #tpu.memory_space<vmem>> -> memref<50x32xf32, #tpu.memory_space<vmem>>
        %dma_start3A_642 = arith.constant 0 : i32
        %dma_start3A_643 = tpu.memref_slice %arg5[%add3A_534, %dma_start3A_642] : memref<512x50xi32, #tpu.memory_space<vmem>> -> memref<1x50xi32, #tpu.memory_space<vmem>>
        %dma_start3A_644 = tpu.memref_squeeze %dma_start3A_643 : memref<1x50xi32, #tpu.memory_space<vmem>> -> memref<50xi32, #tpu.memory_space<vmem>>
        %dma_start3A_645 = arith.constant 0 : i32
        %dma_start3A_646 = arith.constant 0 : i32
        %dma_start3A_647 = tpu.memref_slice %arg3[%dma_start3A_645, %dma_start3A_646] : memref<1000000x32xf32, #tpu.memory_space<hbm>> -> memref<1000000x32xf32, #tpu.memory_space<hbm>>
        tpu.enqueue_indirect_dma source(%dma_start3A_647 : memref<1000000x32xf32, #tpu.memory_space<hbm>>) target(%dma_start3A_641 : memref<50x32xf32, #tpu.memory_space<vmem>>) offsets(%dma_start3A_644 : memref<50xi32, #tpu.memory_space<vmem>>) semaphore(%arg7 : memref<!tpu.dma_semaphore, #tpu.memory_space<semaphore_mem>>)
        %dma_start3A_648 = arith.constant 7 : i32
        %dma_start3A_649 = arith.constant 0 : i32
        %dma_start3A_650 = arith.constant 0 : i32
        %dma_start3A_651 = tpu.memref_slice %arg6[%sub3A_506, %dma_start3A_648, %dma_start3A_649, %dma_start3A_650] : memref<2x16x50x32xf32, #tpu.memory_space<vmem>> -> memref<1x1x50x32xf32, #tpu.memory_space<vmem>>
        %dma_start3A_652 = tpu.memref_squeeze %dma_start3A_651 : memref<1x1x50x32xf32, #tpu.memory_space<vmem>> -> memref<50x32xf32, #tpu.memory_space<vmem>>
        %dma_start3A_653 = arith.constant 0 : i32
        %dma_start3A_654 = tpu.memref_slice %arg5[%add3A_538, %dma_start3A_653] : memref<512x50xi32, #tpu.memory_space<vmem>> -> memref<1x50xi32, #tpu.memory_space<vmem>>
        %dma_start3A_655 = tpu.memref_squeeze %dma_start3A_654 : memref<1x50xi32, #tpu.memory_space<vmem>> -> memref<50xi32, #tpu.memory_space<vmem>>
        %dma_start3A_656 = arith.constant 0 : i32
        %dma_start3A_657 = arith.constant 0 : i32
        %dma_start3A_658 = tpu.memref_slice %arg3[%dma_start3A_656, %dma_start3A_657] : memref<1000000x32xf32, #tpu.memory_space<hbm>> -> memref<1000000x32xf32, #tpu.memory_space<hbm>>
        tpu.enqueue_indirect_dma source(%dma_start3A_658 : memref<1000000x32xf32, #tpu.memory_space<hbm>>) target(%dma_start3A_652 : memref<50x32xf32, #tpu.memory_space<vmem>>) offsets(%dma_start3A_655 : memref<50xi32, #tpu.memory_space<vmem>>) semaphore(%arg7 : memref<!tpu.dma_semaphore, #tpu.memory_space<semaphore_mem>>)
        %dma_start3A_659 = arith.constant 8 : i32
        %dma_start3A_660 = arith.constant 0 : i32
        %dma_start3A_661 = arith.constant 0 : i32
        %dma_start3A_662 = tpu.memref_slice %arg6[%sub3A_506, %dma_start3A_659, %dma_start3A_660, %dma_start3A_661] : memref<2x16x50x32xf32, #tpu.memory_space<vmem>> -> memref<1x1x50x32xf32, #tpu.memory_space<vmem>>
        %dma_start3A_663 = tpu.memref_squeeze %dma_start3A_662 : memref<1x1x50x32xf32, #tpu.memory_space<vmem>> -> memref<50x32xf32, #tpu.memory_space<vmem>>
        %dma_start3A_664 = arith.constant 0 : i32
        %dma_start3A_665 = tpu.memref_slice %arg5[%add3A_542, %dma_start3A_664] : memref<512x50xi32, #tpu.memory_space<vmem>> -> memref<1x50xi32, #tpu.memory_space<vmem>>
        %dma_start3A_666 = tpu.memref_squeeze %dma_start3A_665 : memref<1x50xi32, #tpu.memory_space<vmem>> -> memref<50xi32, #tpu.memory_space<vmem>>
        %dma_start3A_667 = arith.constant 0 : i32
        %dma_start3A_668 = arith.constant 0 : i32
        %dma_start3A_669 = tpu.memref_slice %arg3[%dma_start3A_667, %dma_start3A_668] : memref<1000000x32xf32, #tpu.memory_space<hbm>> -> memref<1000000x32xf32, #tpu.memory_space<hbm>>
        tpu.enqueue_indirect_dma source(%dma_start3A_669 : memref<1000000x32xf32, #tpu.memory_space<hbm>>) target(%dma_start3A_663 : memref<50x32xf32, #tpu.memory_space<vmem>>) offsets(%dma_start3A_666 : memref<50xi32, #tpu.memory_space<vmem>>) semaphore(%arg7 : memref<!tpu.dma_semaphore, #tpu.memory_space<semaphore_mem>>)
        %dma_start3A_670 = arith.constant 9 : i32
        %dma_start3A_671 = arith.constant 0 : i32
        %dma_start3A_672 = arith.constant 0 : i32
        %dma_start3A_673 = tpu.memref_slice %arg6[%sub3A_506, %dma_start3A_670, %dma_start3A_671, %dma_start3A_672] : memref<2x16x50x32xf32, #tpu.memory_space<vmem>> -> memref<1x1x50x32xf32, #tpu.memory_space<vmem>>
        %dma_start3A_674 = tpu.memref_squeeze %dma_start3A_673 : memref<1x1x50x32xf32, #tpu.memory_space<vmem>> -> memref<50x32xf32, #tpu.memory_space<vmem>>
        %dma_start3A_675 = arith.constant 0 : i32
        %dma_start3A_676 = tpu.memref_slice %arg5[%add3A_546, %dma_start3A_675] : memref<512x50xi32, #tpu.memory_space<vmem>> -> memref<1x50xi32, #tpu.memory_space<vmem>>
        %dma_start3A_677 = tpu.memref_squeeze %dma_start3A_676 : memref<1x50xi32, #tpu.memory_space<vmem>> -> memref<50xi32, #tpu.memory_space<vmem>>
        %dma_start3A_678 = arith.constant 0 : i32
        %dma_start3A_679 = arith.constant 0 : i32
        %dma_start3A_680 = tpu.memref_slice %arg3[%dma_start3A_678, %dma_start3A_679] : memref<1000000x32xf32, #tpu.memory_space<hbm>> -> memref<1000000x32xf32, #tpu.memory_space<hbm>>
        tpu.enqueue_indirect_dma source(%dma_start3A_680 : memref<1000000x32xf32, #tpu.memory_space<hbm>>) target(%dma_start3A_674 : memref<50x32xf32, #tpu.memory_space<vmem>>) offsets(%dma_start3A_677 : memref<50xi32, #tpu.memory_space<vmem>>) semaphore(%arg7 : memref<!tpu.dma_semaphore, #tpu.memory_space<semaphore_mem>>)
        %dma_start3A_681 = arith.constant 10 : i32
        %dma_start3A_682 = arith.constant 0 : i32
        %dma_start3A_683 = arith.constant 0 : i32
        %dma_start3A_684 = tpu.memref_slice %arg6[%sub3A_506, %dma_start3A_681, %dma_start3A_682, %dma_start3A_683] : memref<2x16x50x32xf32, #tpu.memory_space<vmem>> -> memref<1x1x50x32xf32, #tpu.memory_space<vmem>>
        %dma_start3A_685 = tpu.memref_squeeze %dma_start3A_684 : memref<1x1x50x32xf32, #tpu.memory_space<vmem>> -> memref<50x32xf32, #tpu.memory_space<vmem>>
        %dma_start3A_686 = arith.constant 0 : i32
        %dma_start3A_687 = tpu.memref_slice %arg5[%add3A_550, %dma_start3A_686] : memref<512x50xi32, #tpu.memory_space<vmem>> -> memref<1x50xi32, #tpu.memory_space<vmem>>
        %dma_start3A_688 = tpu.memref_squeeze %dma_start3A_687 : memref<1x50xi32, #tpu.memory_space<vmem>> -> memref<50xi32, #tpu.memory_space<vmem>>
        %dma_start3A_689 = arith.constant 0 : i32
        %dma_start3A_690 = arith.constant 0 : i32
        %dma_start3A_691 = tpu.memref_slice %arg3[%dma_start3A_689, %dma_start3A_690] : memref<1000000x32xf32, #tpu.memory_space<hbm>> -> memref<1000000x32xf32, #tpu.memory_space<hbm>>
        tpu.enqueue_indirect_dma source(%dma_start3A_691 : memref<1000000x32xf32, #tpu.memory_space<hbm>>) target(%dma_start3A_685 : memref<50x32xf32, #tpu.memory_space<vmem>>) offsets(%dma_start3A_688 : memref<50xi32, #tpu.memory_space<vmem>>) semaphore(%arg7 : memref<!tpu.dma_semaphore, #tpu.memory_space<semaphore_mem>>)
        %dma_start3A_692 = arith.constant 11 : i32
        %dma_start3A_693 = arith.constant 0 : i32
        %dma_start3A_694 = arith.constant 0 : i32
        %dma_start3A_695 = tpu.memref_slice %arg6[%sub3A_506, %dma_start3A_692, %dma_start3A_693, %dma_start3A_694] : memref<2x16x50x32xf32, #tpu.memory_space<vmem>> -> memref<1x1x50x32xf32, #tpu.memory_space<vmem>>
        %dma_start3A_696 = tpu.memref_squeeze %dma_start3A_695 : memref<1x1x50x32xf32, #tpu.memory_space<vmem>> -> memref<50x32xf32, #tpu.memory_space<vmem>>
        %dma_start3A_697 = arith.constant 0 : i32
        %dma_start3A_698 = tpu.memref_slice %arg5[%add3A_554, %dma_start3A_697] : memref<512x50xi32, #tpu.memory_space<vmem>> -> memref<1x50xi32, #tpu.memory_space<vmem>>
        %dma_start3A_699 = tpu.memref_squeeze %dma_start3A_698 : memref<1x50xi32, #tpu.memory_space<vmem>> -> memref<50xi32, #tpu.memory_space<vmem>>
        %dma_start3A_700 = arith.constant 0 : i32
        %dma_start3A_701 = arith.constant 0 : i32
        %dma_start3A_702 = tpu.memref_slice %arg3[%dma_start3A_700, %dma_start3A_701] : memref<1000000x32xf32, #tpu.memory_space<hbm>> -> memref<1000000x32xf32, #tpu.memory_space<hbm>>
        tpu.enqueue_indirect_dma source(%dma_start3A_702 : memref<1000000x32xf32, #tpu.memory_space<hbm>>) target(%dma_start3A_696 : memref<50x32xf32, #tpu.memory_space<vmem>>) offsets(%dma_start3A_699 : memref<50xi32, #tpu.memory_space<vmem>>) semaphore(%arg7 : memref<!tpu.dma_semaphore, #tpu.memory_space<semaphore_mem>>)
        %dma_start3A_703 = arith.constant 12 : i32
        %dma_start3A_704 = arith.constant 0 : i32
        %dma_start3A_705 = arith.constant 0 : i32
        %dma_start3A_706 = tpu.memref_slice %arg6[%sub3A_506, %dma_start3A_703, %dma_start3A_704, %dma_start3A_705] : memref<2x16x50x32xf32, #tpu.memory_space<vmem>> -> memref<1x1x50x32xf32, #tpu.memory_space<vmem>>
        %dma_start3A_707 = tpu.memref_squeeze %dma_start3A_706 : memref<1x1x50x32xf32, #tpu.memory_space<vmem>> -> memref<50x32xf32, #tpu.memory_space<vmem>>
        %dma_start3A_708 = arith.constant 0 : i32
        %dma_start3A_709 = tpu.memref_slice %arg5[%add3A_558, %dma_start3A_708] : memref<512x50xi32, #tpu.memory_space<vmem>> -> memref<1x50xi32, #tpu.memory_space<vmem>>
        %dma_start3A_710 = tpu.memref_squeeze %dma_start3A_709 : memref<1x50xi32, #tpu.memory_space<vmem>> -> memref<50xi32, #tpu.memory_space<vmem>>
        %dma_start3A_711 = arith.constant 0 : i32
        %dma_start3A_712 = arith.constant 0 : i32
        %dma_start3A_713 = tpu.memref_slice %arg3[%dma_start3A_711, %dma_start3A_712] : memref<1000000x32xf32, #tpu.memory_space<hbm>> -> memref<1000000x32xf32, #tpu.memory_space<hbm>>
        tpu.enqueue_indirect_dma source(%dma_start3A_713 : memref<1000000x32xf32, #tpu.memory_space<hbm>>) target(%dma_start3A_707 : memref<50x32xf32, #tpu.memory_space<vmem>>) offsets(%dma_start3A_710 : memref<50xi32, #tpu.memory_space<vmem>>) semaphore(%arg7 : memref<!tpu.dma_semaphore, #tpu.memory_space<semaphore_mem>>)
        %dma_start3A_714 = arith.constant 13 : i32
        %dma_start3A_715 = arith.constant 0 : i32
        %dma_start3A_716 = arith.constant 0 : i32
        %dma_start3A_717 = tpu.memref_slice %arg6[%sub3A_506, %dma_start3A_714, %dma_start3A_715, %dma_start3A_716] : memref<2x16x50x32xf32, #tpu.memory_space<vmem>> -> memref<1x1x50x32xf32, #tpu.memory_space<vmem>>
        %dma_start3A_718 = tpu.memref_squeeze %dma_start3A_717 : memref<1x1x50x32xf32, #tpu.memory_space<vmem>> -> memref<50x32xf32, #tpu.memory_space<vmem>>
        %dma_start3A_719 = arith.constant 0 : i32
        %dma_start3A_720 = tpu.memref_slice %arg5[%add3A_562, %dma_start3A_719] : memref<512x50xi32, #tpu.memory_space<vmem>> -> memref<1x50xi32, #tpu.memory_space<vmem>>
        %dma_start3A_721 = tpu.memref_squeeze %dma_start3A_720 : memref<1x50xi32, #tpu.memory_space<vmem>> -> memref<50xi32, #tpu.memory_space<vmem>>
        %dma_start3A_722 = arith.constant 0 : i32
        %dma_start3A_723 = arith.constant 0 : i32
        %dma_start3A_724 = tpu.memref_slice %arg3[%dma_start3A_722, %dma_start3A_723] : memref<1000000x32xf32, #tpu.memory_space<hbm>> -> memref<1000000x32xf32, #tpu.memory_space<hbm>>
        tpu.enqueue_indirect_dma source(%dma_start3A_724 : memref<1000000x32xf32, #tpu.memory_space<hbm>>) target(%dma_start3A_718 : memref<50x32xf32, #tpu.memory_space<vmem>>) offsets(%dma_start3A_721 : memref<50xi32, #tpu.memory_space<vmem>>) semaphore(%arg7 : memref<!tpu.dma_semaphore, #tpu.memory_space<semaphore_mem>>)
        %dma_start3A_725 = arith.constant 14 : i32
        %dma_start3A_726 = arith.constant 0 : i32
        %dma_start3A_727 = arith.constant 0 : i32
        %dma_start3A_728 = tpu.memref_slice %arg6[%sub3A_506, %dma_start3A_725, %dma_start3A_726, %dma_start3A_727] : memref<2x16x50x32xf32, #tpu.memory_space<vmem>> -> memref<1x1x50x32xf32, #tpu.memory_space<vmem>>
        %dma_start3A_729 = tpu.memref_squeeze %dma_start3A_728 : memref<1x1x50x32xf32, #tpu.memory_space<vmem>> -> memref<50x32xf32, #tpu.memory_space<vmem>>
        %dma_start3A_730 = arith.constant 0 : i32
        %dma_start3A_731 = tpu.memref_slice %arg5[%add3A_566, %dma_start3A_730] : memref<512x50xi32, #tpu.memory_space<vmem>> -> memref<1x50xi32, #tpu.memory_space<vmem>>
        %dma_start3A_732 = tpu.memref_squeeze %dma_start3A_731 : memref<1x50xi32, #tpu.memory_space<vmem>> -> memref<50xi32, #tpu.memory_space<vmem>>
        %dma_start3A_733 = arith.constant 0 : i32
        %dma_start3A_734 = arith.constant 0 : i32
        %dma_start3A_735 = tpu.memref_slice %arg3[%dma_start3A_733, %dma_start3A_734] : memref<1000000x32xf32, #tpu.memory_space<hbm>> -> memref<1000000x32xf32, #tpu.memory_space<hbm>>
        tpu.enqueue_indirect_dma source(%dma_start3A_735 : memref<1000000x32xf32, #tpu.memory_space<hbm>>) target(%dma_start3A_729 : memref<50x32xf32, #tpu.memory_space<vmem>>) offsets(%dma_start3A_732 : memref<50xi32, #tpu.memory_space<vmem>>) semaphore(%arg7 : memref<!tpu.dma_semaphore, #tpu.memory_space<semaphore_mem>>)
        %dma_start3A_736 = arith.constant 15 : i32
        %dma_start3A_737 = arith.constant 0 : i32
        %dma_start3A_738 = arith.constant 0 : i32
        %dma_start3A_739 = tpu.memref_slice %arg6[%sub3A_506, %dma_start3A_736, %dma_start3A_737, %dma_start3A_738] : memref<2x16x50x32xf32, #tpu.memory_space<vmem>> -> memref<1x1x50x32xf32, #tpu.memory_space<vmem>>
        %dma_start3A_740 = tpu.memref_squeeze %dma_start3A_739 : memref<1x1x50x32xf32, #tpu.memory_space<vmem>> -> memref<50x32xf32, #tpu.memory_space<vmem>>
        %dma_start3A_741 = arith.constant 0 : i32
        %dma_start3A_742 = tpu.memref_slice %arg5[%add3A_570, %dma_start3A_741] : memref<512x50xi32, #tpu.memory_space<vmem>> -> memref<1x50xi32, #tpu.memory_space<vmem>>
        %dma_start3A_743 = tpu.memref_squeeze %dma_start3A_742 : memref<1x50xi32, #tpu.memory_space<vmem>> -> memref<50xi32, #tpu.memory_space<vmem>>
        %dma_start3A_744 = arith.constant 0 : i32
        %dma_start3A_745 = arith.constant 0 : i32
        %dma_start3A_746 = tpu.memref_slice %arg3[%dma_start3A_744, %dma_start3A_745] : memref<1000000x32xf32, #tpu.memory_space<hbm>> -> memref<1000000x32xf32, #tpu.memory_space<hbm>>
        tpu.enqueue_indirect_dma source(%dma_start3A_746 : memref<1000000x32xf32, #tpu.memory_space<hbm>>) target(%dma_start3A_740 : memref<50x32xf32, #tpu.memory_space<vmem>>) offsets(%dma_start3A_743 : memref<50xi32, #tpu.memory_space<vmem>>) semaphore(%arg7 : memref<!tpu.dma_semaphore, #tpu.memory_space<semaphore_mem>>)
      } else {
      }
      %mul3A_245 = arith.constant 16 : i32
      %mul3A_246 = arith.muli %scan3A_234, %mul3A_245 : i32
      %add3A_247 = arith.constant 0 : i32
      %add3A_248 = arith.addi %mul3A_246, %add3A_247 : i32
      %mul3A_249 = arith.constant 16 : i32
      %mul3A_250 = arith.muli %scan3A_234, %mul3A_249 : i32
      %add3A_251 = arith.constant 1 : i32
      %add3A_252 = arith.addi %mul3A_250, %add3A_251 : i32
      %mul3A_253 = arith.constant 16 : i32
      %mul3A_254 = arith.muli %scan3A_234, %mul3A_253 : i32
      %add3A_255 = arith.constant 2 : i32
      %add3A_256 = arith.addi %mul3A_254, %add3A_255 : i32
      %mul3A_257 = arith.constant 16 : i32
      %mul3A_258 = arith.muli %scan3A_234, %mul3A_257 : i32
      %add3A_259 = arith.constant 3 : i32
      %add3A_260 = arith.addi %mul3A_258, %add3A_259 : i32
      %mul3A_261 = arith.constant 16 : i32
      %mul3A_262 = arith.muli %scan3A_234, %mul3A_261 : i32
      %add3A_263 = arith.constant 4 : i32
      %add3A_264 = arith.addi %mul3A_262, %add3A_263 : i32
      %mul3A_265 = arith.constant 16 : i32
      %mul3A_266 = arith.muli %scan3A_234, %mul3A_265 : i32
      %add3A_267 = arith.constant 5 : i32
      %add3A_268 = arith.addi %mul3A_266, %add3A_267 : i32
      %mul3A_269 = arith.constant 16 : i32
      %mul3A_270 = arith.muli %scan3A_234, %mul3A_269 : i32
      %add3A_271 = arith.constant 6 : i32
      %add3A_272 = arith.addi %mul3A_270, %add3A_271 : i32
      %mul3A_273 = arith.constant 16 : i32
      %mul3A_274 = arith.muli %scan3A_234, %mul3A_273 : i32
      %add3A_275 = arith.constant 7 : i32
      %add3A_276 = arith.addi %mul3A_274, %add3A_275 : i32
      %mul3A_277 = arith.constant 16 : i32
      %mul3A_278 = arith.muli %scan3A_234, %mul3A_277 : i32
      %add3A_279 = arith.constant 8 : i32
      %add3A_280 = arith.addi %mul3A_278, %add3A_279 : i32
      %mul3A_281 = arith.constant 16 : i32
      %mul3A_282 = arith.muli %scan3A_234, %mul3A_281 : i32
      %add3A_283 = arith.constant 9 : i32
      %add3A_284 = arith.addi %mul3A_282, %add3A_283 : i32
      %mul3A_285 = arith.constant 16 : i32
      %mul3A_286 = arith.muli %scan3A_234, %mul3A_285 : i32
      %add3A_287 = arith.constant 10 : i32
      %add3A_288 = arith.addi %mul3A_286, %add3A_287 : i32
      %mul3A_289 = arith.constant 16 : i32
      %mul3A_290 = arith.muli %scan3A_234, %mul3A_289 : i32
      %add3A_291 = arith.constant 11 : i32
      %add3A_292 = arith.addi %mul3A_290, %add3A_291 : i32
      %mul3A_293 = arith.constant 16 : i32
      %mul3A_294 = arith.muli %scan3A_234, %mul3A_293 : i32
      %add3A_295 = arith.constant 12 : i32
      %add3A_296 = arith.addi %mul3A_294, %add3A_295 : i32
      %mul3A_297 = arith.constant 16 : i32
      %mul3A_298 = arith.muli %scan3A_234, %mul3A_297 : i32
      %add3A_299 = arith.constant 13 : i32
      %add3A_300 = arith.addi %mul3A_298, %add3A_299 : i32
      %mul3A_301 = arith.constant 16 : i32
      %mul3A_302 = arith.muli %scan3A_234, %mul3A_301 : i32
      %add3A_303 = arith.constant 14 : i32
      %add3A_304 = arith.addi %mul3A_302, %add3A_303 : i32
      %mul3A_305 = arith.constant 16 : i32
      %mul3A_306 = arith.muli %scan3A_234, %mul3A_305 : i32
      %add3A_307 = arith.constant 15 : i32
      %add3A_308 = arith.addi %mul3A_306, %add3A_307 : i32
      %dma_wait3A_309 = arith.constant 0 : i32
      %dma_wait3A_310 = arith.constant 0 : i32
      %dma_wait3A_311 = arith.constant 0 : i32
      %dma_wait3A_312 = tpu.memref_slice %arg6[%rem3A_236, %dma_wait3A_309, %dma_wait3A_310, %dma_wait3A_311] : memref<2x16x50x32xf32, #tpu.memory_space<vmem>> -> memref<1x1x50x32xf32, #tpu.memory_space<vmem>>
      %dma_wait3A_313 = tpu.memref_squeeze %dma_wait3A_312 : memref<1x1x50x32xf32, #tpu.memory_space<vmem>> -> memref<50x32xf32, #tpu.memory_space<vmem>>
      %dma_wait3A_314 = arith.constant 0 : i32
      %dma_wait3A_315 = tpu.memref_slice %arg5[%add3A_248, %dma_wait3A_314] : memref<512x50xi32, #tpu.memory_space<vmem>> -> memref<1x50xi32, #tpu.memory_space<vmem>>
      %dma_wait3A_316 = tpu.memref_squeeze %dma_wait3A_315 : memref<1x50xi32, #tpu.memory_space<vmem>> -> memref<50xi32, #tpu.memory_space<vmem>>
      %dma_wait3A_317 = arith.constant 0 : i32
      %dma_wait3A_318 = arith.constant 0 : i32
      %dma_wait3A_319 = tpu.memref_slice %arg3[%dma_wait3A_317, %dma_wait3A_318] : memref<1000000x32xf32, #tpu.memory_space<hbm>> -> memref<1000000x32xf32, #tpu.memory_space<hbm>>
      tpu.wait_indirect_dma semaphore(%arg7 : memref<!tpu.dma_semaphore, #tpu.memory_space<semaphore_mem>>) src(%dma_wait3A_319 : memref<1000000x32xf32, #tpu.memory_space<hbm>>) dst(%dma_wait3A_313 : memref<50x32xf32, #tpu.memory_space<vmem>>)
      %dma_wait3A_320 = arith.constant 1 : i32
      %dma_wait3A_321 = arith.constant 0 : i32
      %dma_wait3A_322 = arith.constant 0 : i32
      %dma_wait3A_323 = tpu.memref_slice %arg6[%rem3A_236, %dma_wait3A_320, %dma_wait3A_321, %dma_wait3A_322] : memref<2x16x50x32xf32, #tpu.memory_space<vmem>> -> memref<1x1x50x32xf32, #tpu.memory_space<vmem>>
      %dma_wait3A_324 = tpu.memref_squeeze %dma_wait3A_323 : memref<1x1x50x32xf32, #tpu.memory_space<vmem>> -> memref<50x32xf32, #tpu.memory_space<vmem>>
      %dma_wait3A_325 = arith.constant 0 : i32
      %dma_wait3A_326 = tpu.memref_slice %arg5[%add3A_252, %dma_wait3A_325] : memref<512x50xi32, #tpu.memory_space<vmem>> -> memref<1x50xi32, #tpu.memory_space<vmem>>
      %dma_wait3A_327 = tpu.memref_squeeze %dma_wait3A_326 : memref<1x50xi32, #tpu.memory_space<vmem>> -> memref<50xi32, #tpu.memory_space<vmem>>
      %dma_wait3A_328 = arith.constant 0 : i32
      %dma_wait3A_329 = arith.constant 0 : i32
      %dma_wait3A_330 = tpu.memref_slice %arg3[%dma_wait3A_328, %dma_wait3A_329] : memref<1000000x32xf32, #tpu.memory_space<hbm>> -> memref<1000000x32xf32, #tpu.memory_space<hbm>>
      tpu.wait_indirect_dma semaphore(%arg7 : memref<!tpu.dma_semaphore, #tpu.memory_space<semaphore_mem>>) src(%dma_wait3A_330 : memref<1000000x32xf32, #tpu.memory_space<hbm>>) dst(%dma_wait3A_324 : memref<50x32xf32, #tpu.memory_space<vmem>>)
      %dma_wait3A_331 = arith.constant 2 : i32
      %dma_wait3A_332 = arith.constant 0 : i32
      %dma_wait3A_333 = arith.constant 0 : i32
      %dma_wait3A_334 = tpu.memref_slice %arg6[%rem3A_236, %dma_wait3A_331, %dma_wait3A_332, %dma_wait3A_333] : memref<2x16x50x32xf32, #tpu.memory_space<vmem>> -> memref<1x1x50x32xf32, #tpu.memory_space<vmem>>
      %dma_wait3A_335 = tpu.memref_squeeze %dma_wait3A_334 : memref<1x1x50x32xf32, #tpu.memory_space<vmem>> -> memref<50x32xf32, #tpu.memory_space<vmem>>
      %dma_wait3A_336 = arith.constant 0 : i32
      %dma_wait3A_337 = tpu.memref_slice %arg5[%add3A_256, %dma_wait3A_336] : memref<512x50xi32, #tpu.memory_space<vmem>> -> memref<1x50xi32, #tpu.memory_space<vmem>>
      %dma_wait3A_338 = tpu.memref_squeeze %dma_wait3A_337 : memref<1x50xi32, #tpu.memory_space<vmem>> -> memref<50xi32, #tpu.memory_space<vmem>>
      %dma_wait3A_339 = arith.constant 0 : i32
      %dma_wait3A_340 = arith.constant 0 : i32
      %dma_wait3A_341 = tpu.memref_slice %arg3[%dma_wait3A_339, %dma_wait3A_340] : memref<1000000x32xf32, #tpu.memory_space<hbm>> -> memref<1000000x32xf32, #tpu.memory_space<hbm>>
      tpu.wait_indirect_dma semaphore(%arg7 : memref<!tpu.dma_semaphore, #tpu.memory_space<semaphore_mem>>) src(%dma_wait3A_341 : memref<1000000x32xf32, #tpu.memory_space<hbm>>) dst(%dma_wait3A_335 : memref<50x32xf32, #tpu.memory_space<vmem>>)
      %dma_wait3A_342 = arith.constant 3 : i32
      %dma_wait3A_343 = arith.constant 0 : i32
      %dma_wait3A_344 = arith.constant 0 : i32
      %dma_wait3A_345 = tpu.memref_slice %arg6[%rem3A_236, %dma_wait3A_342, %dma_wait3A_343, %dma_wait3A_344] : memref<2x16x50x32xf32, #tpu.memory_space<vmem>> -> memref<1x1x50x32xf32, #tpu.memory_space<vmem>>
      %dma_wait3A_346 = tpu.memref_squeeze %dma_wait3A_345 : memref<1x1x50x32xf32, #tpu.memory_space<vmem>> -> memref<50x32xf32, #tpu.memory_space<vmem>>
      %dma_wait3A_347 = arith.constant 0 : i32
      %dma_wait3A_348 = tpu.memref_slice %arg5[%add3A_260, %dma_wait3A_347] : memref<512x50xi32, #tpu.memory_space<vmem>> -> memref<1x50xi32, #tpu.memory_space<vmem>>
      %dma_wait3A_349 = tpu.memref_squeeze %dma_wait3A_348 : memref<1x50xi32, #tpu.memory_space<vmem>> -> memref<50xi32, #tpu.memory_space<vmem>>
      %dma_wait3A_350 = arith.constant 0 : i32
      %dma_wait3A_351 = arith.constant 0 : i32
      %dma_wait3A_352 = tpu.memref_slice %arg3[%dma_wait3A_350, %dma_wait3A_351] : memref<1000000x32xf32, #tpu.memory_space<hbm>> -> memref<1000000x32xf32, #tpu.memory_space<hbm>>
      tpu.wait_indirect_dma semaphore(%arg7 : memref<!tpu.dma_semaphore, #tpu.memory_space<semaphore_mem>>) src(%dma_wait3A_352 : memref<1000000x32xf32, #tpu.memory_space<hbm>>) dst(%dma_wait3A_346 : memref<50x32xf32, #tpu.memory_space<vmem>>)
      %dma_wait3A_353 = arith.constant 4 : i32
      %dma_wait3A_354 = arith.constant 0 : i32
      %dma_wait3A_355 = arith.constant 0 : i32
      %dma_wait3A_356 = tpu.memref_slice %arg6[%rem3A_236, %dma_wait3A_353, %dma_wait3A_354, %dma_wait3A_355] : memref<2x16x50x32xf32, #tpu.memory_space<vmem>> -> memref<1x1x50x32xf32, #tpu.memory_space<vmem>>
      %dma_wait3A_357 = tpu.memref_squeeze %dma_wait3A_356 : memref<1x1x50x32xf32, #tpu.memory_space<vmem>> -> memref<50x32xf32, #tpu.memory_space<vmem>>
      %dma_wait3A_358 = arith.constant 0 : i32
      %dma_wait3A_359 = tpu.memref_slice %arg5[%add3A_264, %dma_wait3A_358] : memref<512x50xi32, #tpu.memory_space<vmem>> -> memref<1x50xi32, #tpu.memory_space<vmem>>
      %dma_wait3A_360 = tpu.memref_squeeze %dma_wait3A_359 : memref<1x50xi32, #tpu.memory_space<vmem>> -> memref<50xi32, #tpu.memory_space<vmem>>
      %dma_wait3A_361 = arith.constant 0 : i32
      %dma_wait3A_362 = arith.constant 0 : i32
      %dma_wait3A_363 = tpu.memref_slice %arg3[%dma_wait3A_361, %dma_wait3A_362] : memref<1000000x32xf32, #tpu.memory_space<hbm>> -> memref<1000000x32xf32, #tpu.memory_space<hbm>>
      tpu.wait_indirect_dma semaphore(%arg7 : memref<!tpu.dma_semaphore, #tpu.memory_space<semaphore_mem>>) src(%dma_wait3A_363 : memref<1000000x32xf32, #tpu.memory_space<hbm>>) dst(%dma_wait3A_357 : memref<50x32xf32, #tpu.memory_space<vmem>>)
      %dma_wait3A_364 = arith.constant 5 : i32
      %dma_wait3A_365 = arith.constant 0 : i32
      %dma_wait3A_366 = arith.constant 0 : i32
      %dma_wait3A_367 = tpu.memref_slice %arg6[%rem3A_236, %dma_wait3A_364, %dma_wait3A_365, %dma_wait3A_366] : memref<2x16x50x32xf32, #tpu.memory_space<vmem>> -> memref<1x1x50x32xf32, #tpu.memory_space<vmem>>
      %dma_wait3A_368 = tpu.memref_squeeze %dma_wait3A_367 : memref<1x1x50x32xf32, #tpu.memory_space<vmem>> -> memref<50x32xf32, #tpu.memory_space<vmem>>
      %dma_wait3A_369 = arith.constant 0 : i32
      %dma_wait3A_370 = tpu.memref_slice %arg5[%add3A_268, %dma_wait3A_369] : memref<512x50xi32, #tpu.memory_space<vmem>> -> memref<1x50xi32, #tpu.memory_space<vmem>>
      %dma_wait3A_371 = tpu.memref_squeeze %dma_wait3A_370 : memref<1x50xi32, #tpu.memory_space<vmem>> -> memref<50xi32, #tpu.memory_space<vmem>>
      %dma_wait3A_372 = arith.constant 0 : i32
      %dma_wait3A_373 = arith.constant 0 : i32
      %dma_wait3A_374 = tpu.memref_slice %arg3[%dma_wait3A_372, %dma_wait3A_373] : memref<1000000x32xf32, #tpu.memory_space<hbm>> -> memref<1000000x32xf32, #tpu.memory_space<hbm>>
      tpu.wait_indirect_dma semaphore(%arg7 : memref<!tpu.dma_semaphore, #tpu.memory_space<semaphore_mem>>) src(%dma_wait3A_374 : memref<1000000x32xf32, #tpu.memory_space<hbm>>) dst(%dma_wait3A_368 : memref<50x32xf32, #tpu.memory_space<vmem>>)
      %dma_wait3A_375 = arith.constant 6 : i32
      %dma_wait3A_376 = arith.constant 0 : i32
      %dma_wait3A_377 = arith.constant 0 : i32
      %dma_wait3A_378 = tpu.memref_slice %arg6[%rem3A_236, %dma_wait3A_375, %dma_wait3A_376, %dma_wait3A_377] : memref<2x16x50x32xf32, #tpu.memory_space<vmem>> -> memref<1x1x50x32xf32, #tpu.memory_space<vmem>>
      %dma_wait3A_379 = tpu.memref_squeeze %dma_wait3A_378 : memref<1x1x50x32xf32, #tpu.memory_space<vmem>> -> memref<50x32xf32, #tpu.memory_space<vmem>>
      %dma_wait3A_380 = arith.constant 0 : i32
      %dma_wait3A_381 = tpu.memref_slice %arg5[%add3A_272, %dma_wait3A_380] : memref<512x50xi32, #tpu.memory_space<vmem>> -> memref<1x50xi32, #tpu.memory_space<vmem>>
      %dma_wait3A_382 = tpu.memref_squeeze %dma_wait3A_381 : memref<1x50xi32, #tpu.memory_space<vmem>> -> memref<50xi32, #tpu.memory_space<vmem>>
      %dma_wait3A_383 = arith.constant 0 : i32
      %dma_wait3A_384 = arith.constant 0 : i32
      %dma_wait3A_385 = tpu.memref_slice %arg3[%dma_wait3A_383, %dma_wait3A_384] : memref<1000000x32xf32, #tpu.memory_space<hbm>> -> memref<1000000x32xf32, #tpu.memory_space<hbm>>
      tpu.wait_indirect_dma semaphore(%arg7 : memref<!tpu.dma_semaphore, #tpu.memory_space<semaphore_mem>>) src(%dma_wait3A_385 : memref<1000000x32xf32, #tpu.memory_space<hbm>>) dst(%dma_wait3A_379 : memref<50x32xf32, #tpu.memory_space<vmem>>)
      %dma_wait3A_386 = arith.constant 7 : i32
      %dma_wait3A_387 = arith.constant 0 : i32
      %dma_wait3A_388 = arith.constant 0 : i32
      %dma_wait3A_389 = tpu.memref_slice %arg6[%rem3A_236, %dma_wait3A_386, %dma_wait3A_387, %dma_wait3A_388] : memref<2x16x50x32xf32, #tpu.memory_space<vmem>> -> memref<1x1x50x32xf32, #tpu.memory_space<vmem>>
      %dma_wait3A_390 = tpu.memref_squeeze %dma_wait3A_389 : memref<1x1x50x32xf32, #tpu.memory_space<vmem>> -> memref<50x32xf32, #tpu.memory_space<vmem>>
      %dma_wait3A_391 = arith.constant 0 : i32
      %dma_wait3A_392 = tpu.memref_slice %arg5[%add3A_276, %dma_wait3A_391] : memref<512x50xi32, #tpu.memory_space<vmem>> -> memref<1x50xi32, #tpu.memory_space<vmem>>
      %dma_wait3A_393 = tpu.memref_squeeze %dma_wait3A_392 : memref<1x50xi32, #tpu.memory_space<vmem>> -> memref<50xi32, #tpu.memory_space<vmem>>
      %dma_wait3A_394 = arith.constant 0 : i32
      %dma_wait3A_395 = arith.constant 0 : i32
      %dma_wait3A_396 = tpu.memref_slice %arg3[%dma_wait3A_394, %dma_wait3A_395] : memref<1000000x32xf32, #tpu.memory_space<hbm>> -> memref<1000000x32xf32, #tpu.memory_space<hbm>>
      tpu.wait_indirect_dma semaphore(%arg7 : memref<!tpu.dma_semaphore, #tpu.memory_space<semaphore_mem>>) src(%dma_wait3A_396 : memref<1000000x32xf32, #tpu.memory_space<hbm>>) dst(%dma_wait3A_390 : memref<50x32xf32, #tpu.memory_space<vmem>>)
      %dma_wait3A_397 = arith.constant 8 : i32
      %dma_wait3A_398 = arith.constant 0 : i32
      %dma_wait3A_399 = arith.constant 0 : i32
      %dma_wait3A_400 = tpu.memref_slice %arg6[%rem3A_236, %dma_wait3A_397, %dma_wait3A_398, %dma_wait3A_399] : memref<2x16x50x32xf32, #tpu.memory_space<vmem>> -> memref<1x1x50x32xf32, #tpu.memory_space<vmem>>
      %dma_wait3A_401 = tpu.memref_squeeze %dma_wait3A_400 : memref<1x1x50x32xf32, #tpu.memory_space<vmem>> -> memref<50x32xf32, #tpu.memory_space<vmem>>
      %dma_wait3A_402 = arith.constant 0 : i32
      %dma_wait3A_403 = tpu.memref_slice %arg5[%add3A_280, %dma_wait3A_402] : memref<512x50xi32, #tpu.memory_space<vmem>> -> memref<1x50xi32, #tpu.memory_space<vmem>>
      %dma_wait3A_404 = tpu.memref_squeeze %dma_wait3A_403 : memref<1x50xi32, #tpu.memory_space<vmem>> -> memref<50xi32, #tpu.memory_space<vmem>>
      %dma_wait3A_405 = arith.constant 0 : i32
      %dma_wait3A_406 = arith.constant 0 : i32
      %dma_wait3A_407 = tpu.memref_slice %arg3[%dma_wait3A_405, %dma_wait3A_406] : memref<1000000x32xf32, #tpu.memory_space<hbm>> -> memref<1000000x32xf32, #tpu.memory_space<hbm>>
      tpu.wait_indirect_dma semaphore(%arg7 : memref<!tpu.dma_semaphore, #tpu.memory_space<semaphore_mem>>) src(%dma_wait3A_407 : memref<1000000x32xf32, #tpu.memory_space<hbm>>) dst(%dma_wait3A_401 : memref<50x32xf32, #tpu.memory_space<vmem>>)
      %dma_wait3A_408 = arith.constant 9 : i32
      %dma_wait3A_409 = arith.constant 0 : i32
      %dma_wait3A_410 = arith.constant 0 : i32
      %dma_wait3A_411 = tpu.memref_slice %arg6[%rem3A_236, %dma_wait3A_408, %dma_wait3A_409, %dma_wait3A_410] : memref<2x16x50x32xf32, #tpu.memory_space<vmem>> -> memref<1x1x50x32xf32, #tpu.memory_space<vmem>>
      %dma_wait3A_412 = tpu.memref_squeeze %dma_wait3A_411 : memref<1x1x50x32xf32, #tpu.memory_space<vmem>> -> memref<50x32xf32, #tpu.memory_space<vmem>>
      %dma_wait3A_413 = arith.constant 0 : i32
      %dma_wait3A_414 = tpu.memref_slice %arg5[%add3A_284, %dma_wait3A_413] : memref<512x50xi32, #tpu.memory_space<vmem>> -> memref<1x50xi32, #tpu.memory_space<vmem>>
      %dma_wait3A_415 = tpu.memref_squeeze %dma_wait3A_414 : memref<1x50xi32, #tpu.memory_space<vmem>> -> memref<50xi32, #tpu.memory_space<vmem>>
      %dma_wait3A_416 = arith.constant 0 : i32
      %dma_wait3A_417 = arith.constant 0 : i32
      %dma_wait3A_418 = tpu.memref_slice %arg3[%dma_wait3A_416, %dma_wait3A_417] : memref<1000000x32xf32, #tpu.memory_space<hbm>> -> memref<1000000x32xf32, #tpu.memory_space<hbm>>
      tpu.wait_indirect_dma semaphore(%arg7 : memref<!tpu.dma_semaphore, #tpu.memory_space<semaphore_mem>>) src(%dma_wait3A_418 : memref<1000000x32xf32, #tpu.memory_space<hbm>>) dst(%dma_wait3A_412 : memref<50x32xf32, #tpu.memory_space<vmem>>)
      %dma_wait3A_419 = arith.constant 10 : i32
      %dma_wait3A_420 = arith.constant 0 : i32
      %dma_wait3A_421 = arith.constant 0 : i32
      %dma_wait3A_422 = tpu.memref_slice %arg6[%rem3A_236, %dma_wait3A_419, %dma_wait3A_420, %dma_wait3A_421] : memref<2x16x50x32xf32, #tpu.memory_space<vmem>> -> memref<1x1x50x32xf32, #tpu.memory_space<vmem>>
      %dma_wait3A_423 = tpu.memref_squeeze %dma_wait3A_422 : memref<1x1x50x32xf32, #tpu.memory_space<vmem>> -> memref<50x32xf32, #tpu.memory_space<vmem>>
      %dma_wait3A_424 = arith.constant 0 : i32
      %dma_wait3A_425 = tpu.memref_slice %arg5[%add3A_288, %dma_wait3A_424] : memref<512x50xi32, #tpu.memory_space<vmem>> -> memref<1x50xi32, #tpu.memory_space<vmem>>
      %dma_wait3A_426 = tpu.memref_squeeze %dma_wait3A_425 : memref<1x50xi32, #tpu.memory_space<vmem>> -> memref<50xi32, #tpu.memory_space<vmem>>
      %dma_wait3A_427 = arith.constant 0 : i32
      %dma_wait3A_428 = arith.constant 0 : i32
      %dma_wait3A_429 = tpu.memref_slice %arg3[%dma_wait3A_427, %dma_wait3A_428] : memref<1000000x32xf32, #tpu.memory_space<hbm>> -> memref<1000000x32xf32, #tpu.memory_space<hbm>>
      tpu.wait_indirect_dma semaphore(%arg7 : memref<!tpu.dma_semaphore, #tpu.memory_space<semaphore_mem>>) src(%dma_wait3A_429 : memref<1000000x32xf32, #tpu.memory_space<hbm>>) dst(%dma_wait3A_423 : memref<50x32xf32, #tpu.memory_space<vmem>>)
      %dma_wait3A_430 = arith.constant 11 : i32
      %dma_wait3A_431 = arith.constant 0 : i32
      %dma_wait3A_432 = arith.constant 0 : i32
      %dma_wait3A_433 = tpu.memref_slice %arg6[%rem3A_236, %dma_wait3A_430, %dma_wait3A_431, %dma_wait3A_432] : memref<2x16x50x32xf32, #tpu.memory_space<vmem>> -> memref<1x1x50x32xf32, #tpu.memory_space<vmem>>
      %dma_wait3A_434 = tpu.memref_squeeze %dma_wait3A_433 : memref<1x1x50x32xf32, #tpu.memory_space<vmem>> -> memref<50x32xf32, #tpu.memory_space<vmem>>
      %dma_wait3A_435 = arith.constant 0 : i32
      %dma_wait3A_436 = tpu.memref_slice %arg5[%add3A_292, %dma_wait3A_435] : memref<512x50xi32, #tpu.memory_space<vmem>> -> memref<1x50xi32, #tpu.memory_space<vmem>>
      %dma_wait3A_437 = tpu.memref_squeeze %dma_wait3A_436 : memref<1x50xi32, #tpu.memory_space<vmem>> -> memref<50xi32, #tpu.memory_space<vmem>>
      %dma_wait3A_438 = arith.constant 0 : i32
      %dma_wait3A_439 = arith.constant 0 : i32
      %dma_wait3A_440 = tpu.memref_slice %arg3[%dma_wait3A_438, %dma_wait3A_439] : memref<1000000x32xf32, #tpu.memory_space<hbm>> -> memref<1000000x32xf32, #tpu.memory_space<hbm>>
      tpu.wait_indirect_dma semaphore(%arg7 : memref<!tpu.dma_semaphore, #tpu.memory_space<semaphore_mem>>) src(%dma_wait3A_440 : memref<1000000x32xf32, #tpu.memory_space<hbm>>) dst(%dma_wait3A_434 : memref<50x32xf32, #tpu.memory_space<vmem>>)
      %dma_wait3A_441 = arith.constant 12 : i32
      %dma_wait3A_442 = arith.constant 0 : i32
      %dma_wait3A_443 = arith.constant 0 : i32
      %dma_wait3A_444 = tpu.memref_slice %arg6[%rem3A_236, %dma_wait3A_441, %dma_wait3A_442, %dma_wait3A_443] : memref<2x16x50x32xf32, #tpu.memory_space<vmem>> -> memref<1x1x50x32xf32, #tpu.memory_space<vmem>>
      %dma_wait3A_445 = tpu.memref_squeeze %dma_wait3A_444 : memref<1x1x50x32xf32, #tpu.memory_space<vmem>> -> memref<50x32xf32, #tpu.memory_space<vmem>>
      %dma_wait3A_446 = arith.constant 0 : i32
      %dma_wait3A_447 = tpu.memref_slice %arg5[%add3A_296, %dma_wait3A_446] : memref<512x50xi32, #tpu.memory_space<vmem>> -> memref<1x50xi32, #tpu.memory_space<vmem>>
      %dma_wait3A_448 = tpu.memref_squeeze %dma_wait3A_447 : memref<1x50xi32, #tpu.memory_space<vmem>> -> memref<50xi32, #tpu.memory_space<vmem>>
      %dma_wait3A_449 = arith.constant 0 : i32
      %dma_wait3A_450 = arith.constant 0 : i32
      %dma_wait3A_451 = tpu.memref_slice %arg3[%dma_wait3A_449, %dma_wait3A_450] : memref<1000000x32xf32, #tpu.memory_space<hbm>> -> memref<1000000x32xf32, #tpu.memory_space<hbm>>
      tpu.wait_indirect_dma semaphore(%arg7 : memref<!tpu.dma_semaphore, #tpu.memory_space<semaphore_mem>>) src(%dma_wait3A_451 : memref<1000000x32xf32, #tpu.memory_space<hbm>>) dst(%dma_wait3A_445 : memref<50x32xf32, #tpu.memory_space<vmem>>)
      %dma_wait3A_452 = arith.constant 13 : i32
      %dma_wait3A_453 = arith.constant 0 : i32
      %dma_wait3A_454 = arith.constant 0 : i32
      %dma_wait3A_455 = tpu.memref_slice %arg6[%rem3A_236, %dma_wait3A_452, %dma_wait3A_453, %dma_wait3A_454] : memref<2x16x50x32xf32, #tpu.memory_space<vmem>> -> memref<1x1x50x32xf32, #tpu.memory_space<vmem>>
      %dma_wait3A_456 = tpu.memref_squeeze %dma_wait3A_455 : memref<1x1x50x32xf32, #tpu.memory_space<vmem>> -> memref<50x32xf32, #tpu.memory_space<vmem>>
      %dma_wait3A_457 = arith.constant 0 : i32
      %dma_wait3A_458 = tpu.memref_slice %arg5[%add3A_300, %dma_wait3A_457] : memref<512x50xi32, #tpu.memory_space<vmem>> -> memref<1x50xi32, #tpu.memory_space<vmem>>
      %dma_wait3A_459 = tpu.memref_squeeze %dma_wait3A_458 : memref<1x50xi32, #tpu.memory_space<vmem>> -> memref<50xi32, #tpu.memory_space<vmem>>
      %dma_wait3A_460 = arith.constant 0 : i32
      %dma_wait3A_461 = arith.constant 0 : i32
      %dma_wait3A_462 = tpu.memref_slice %arg3[%dma_wait3A_460, %dma_wait3A_461] : memref<1000000x32xf32, #tpu.memory_space<hbm>> -> memref<1000000x32xf32, #tpu.memory_space<hbm>>
      tpu.wait_indirect_dma semaphore(%arg7 : memref<!tpu.dma_semaphore, #tpu.memory_space<semaphore_mem>>) src(%dma_wait3A_462 : memref<1000000x32xf32, #tpu.memory_space<hbm>>) dst(%dma_wait3A_456 : memref<50x32xf32, #tpu.memory_space<vmem>>)
      %dma_wait3A_463 = arith.constant 14 : i32
      %dma_wait3A_464 = arith.constant 0 : i32
      %dma_wait3A_465 = arith.constant 0 : i32
      %dma_wait3A_466 = tpu.memref_slice %arg6[%rem3A_236, %dma_wait3A_463, %dma_wait3A_464, %dma_wait3A_465] : memref<2x16x50x32xf32, #tpu.memory_space<vmem>> -> memref<1x1x50x32xf32, #tpu.memory_space<vmem>>
      %dma_wait3A_467 = tpu.memref_squeeze %dma_wait3A_466 : memref<1x1x50x32xf32, #tpu.memory_space<vmem>> -> memref<50x32xf32, #tpu.memory_space<vmem>>
      %dma_wait3A_468 = arith.constant 0 : i32
      %dma_wait3A_469 = tpu.memref_slice %arg5[%add3A_304, %dma_wait3A_468] : memref<512x50xi32, #tpu.memory_space<vmem>> -> memref<1x50xi32, #tpu.memory_space<vmem>>
      %dma_wait3A_470 = tpu.memref_squeeze %dma_wait3A_469 : memref<1x50xi32, #tpu.memory_space<vmem>> -> memref<50xi32, #tpu.memory_space<vmem>>
      %dma_wait3A_471 = arith.constant 0 : i32
      %dma_wait3A_472 = arith.constant 0 : i32
      %dma_wait3A_473 = tpu.memref_slice %arg3[%dma_wait3A_471, %dma_wait3A_472] : memref<1000000x32xf32, #tpu.memory_space<hbm>> -> memref<1000000x32xf32, #tpu.memory_space<hbm>>
      tpu.wait_indirect_dma semaphore(%arg7 : memref<!tpu.dma_semaphore, #tpu.memory_space<semaphore_mem>>) src(%dma_wait3A_473 : memref<1000000x32xf32, #tpu.memory_space<hbm>>) dst(%dma_wait3A_467 : memref<50x32xf32, #tpu.memory_space<vmem>>)
      %dma_wait3A_474 = arith.constant 15 : i32
      %dma_wait3A_475 = arith.constant 0 : i32
      %dma_wait3A_476 = arith.constant 0 : i32
      %dma_wait3A_477 = tpu.memref_slice %arg6[%rem3A_236, %dma_wait3A_474, %dma_wait3A_475, %dma_wait3A_476] : memref<2x16x50x32xf32, #tpu.memory_space<vmem>> -> memref<1x1x50x32xf32, #tpu.memory_space<vmem>>
      %dma_wait3A_478 = tpu.memref_squeeze %dma_wait3A_477 : memref<1x1x50x32xf32, #tpu.memory_space<vmem>> -> memref<50x32xf32, #tpu.memory_space<vmem>>
      %dma_wait3A_479 = arith.constant 0 : i32
      %dma_wait3A_480 = tpu.memref_slice %arg5[%add3A_308, %dma_wait3A_479] : memref<512x50xi32, #tpu.memory_space<vmem>> -> memref<1x50xi32, #tpu.memory_space<vmem>>
      %dma_wait3A_481 = tpu.memref_squeeze %dma_wait3A_480 : memref<1x50xi32, #tpu.memory_space<vmem>> -> memref<50xi32, #tpu.memory_space<vmem>>
      %dma_wait3A_482 = arith.constant 0 : i32
      %dma_wait3A_483 = arith.constant 0 : i32
      %dma_wait3A_484 = tpu.memref_slice %arg3[%dma_wait3A_482, %dma_wait3A_483] : memref<1000000x32xf32, #tpu.memory_space<hbm>> -> memref<1000000x32xf32, #tpu.memory_space<hbm>>
      tpu.wait_indirect_dma semaphore(%arg7 : memref<!tpu.dma_semaphore, #tpu.memory_space<semaphore_mem>>) src(%dma_wait3A_484 : memref<1000000x32xf32, #tpu.memory_space<hbm>>) dst(%dma_wait3A_478 : memref<50x32xf32, #tpu.memory_space<vmem>>)
      %mul3A_485 = arith.constant 16 : i32
      %mul3A_486 = arith.muli %scan3A_234, %mul3A_485 : i32
      %add3A_487 = arith.addi %mul3A_2, %mul3A_486 : i32
      %dma_start3A_488 = arith.constant 0 : i32
      %dma_start3A_489 = arith.constant 0 : i32
      %dma_start3A_490 = arith.constant 0 : i32
      %dma_start3A_491 = tpu.memref_slice %arg6[%rem3A_236, %dma_start3A_488, %dma_start3A_489, %dma_start3A_490] : memref<2x16x50x32xf32, #tpu.memory_space<vmem>> -> memref<1x16x50x32xf32, #tpu.memory_space<vmem>>
      %dma_start3A_492 = tpu.memref_squeeze %dma_start3A_491 : memref<1x16x50x32xf32, #tpu.memory_space<vmem>> -> memref<16x50x32xf32, #tpu.memory_space<vmem>>
      %dma_start3A_493 = arith.constant 0 : i32
      %dma_start3A_494 = arith.constant 0 : i32
      %dma_start3A_495 = tpu.memref_slice %arg4[%add3A_487, %dma_start3A_493, %dma_start3A_494] : memref<16384x50x32xf32, #tpu.memory_space<hbm>> -> memref<16x50x32xf32, #tpu.memory_space<hbm>>
      %dma_start3A_496 = arith.constant 0 : i32
      %dma_start3A_497 = arith.constant 0 : i32
      %dma_start3A_498 = tpu.memref_slice %arg4[%add3A_487, %dma_start3A_496, %dma_start3A_497] : memref<16384x50x32xf32, #tpu.memory_space<hbm>> -> memref<16x50x32xf32, #tpu.memory_space<hbm>>
      %dma_start3A_499 = arith.constant 0 : i32
      %dma_start3A_500 = arith.constant 0 : i32
      %dma_start3A_501 = arith.constant 0 : i32
      %dma_start3A_502 = tpu.memref_slice %arg6[%rem3A_236, %dma_start3A_499, %dma_start3A_500, %dma_start3A_501] : memref<2x16x50x32xf32, #tpu.memory_space<vmem>> -> memref<1x16x50x32xf32, #tpu.memory_space<vmem>>
      %dma_start3A_503 = tpu.memref_squeeze %dma_start3A_502 : memref<1x16x50x32xf32, #tpu.memory_space<vmem>> -> memref<16x50x32xf32, #tpu.memory_space<vmem>>
      tpu.enqueue_dma source(%dma_start3A_503 : memref<16x50x32xf32, #tpu.memory_space<vmem>>) target(%dma_start3A_498 : memref<16x50x32xf32, #tpu.memory_space<hbm>>) target_semaphore(%arg8 : memref<!tpu.dma_semaphore, #tpu.memory_space<semaphore_mem>>)
    }
    %scan3A_214 = arith.constant 32 : i32
    %rem3A = arith.constant 31 : i32
    %rem3A_215 = arith.constant 2 : i32
    %rem3A_216 = arith.remsi %rem3A, %rem3A_215 : i32
    %add3A_217 = arith.constant 496 : i32
    %add3A_218 = arith.addi %mul3A_2, %add3A_217 : i32
    %dma_wait3A = arith.constant 0 : i32
    %dma_wait3A_219 = arith.constant 0 : i32
    %dma_wait3A_220 = arith.constant 0 : i32
    %dma_wait3A_221 = tpu.memref_slice %arg6[%rem3A_216, %dma_wait3A, %dma_wait3A_219, %dma_wait3A_220] : memref<2x16x50x32xf32, #tpu.memory_space<vmem>> -> memref<1x16x50x32xf32, #tpu.memory_space<vmem>>
    %dma_wait3A_222 = tpu.memref_squeeze %dma_wait3A_221 : memref<1x16x50x32xf32, #tpu.memory_space<vmem>> -> memref<16x50x32xf32, #tpu.memory_space<vmem>>
    %dma_wait3A_223 = arith.constant 0 : i32
    %dma_wait3A_224 = arith.constant 0 : i32
    %dma_wait3A_225 = tpu.memref_slice %arg4[%add3A_218, %dma_wait3A_223, %dma_wait3A_224] : memref<16384x50x32xf32, #tpu.memory_space<hbm>> -> memref<16x50x32xf32, #tpu.memory_space<hbm>>
    %dma_wait3A_226 = arith.constant 0 : i32
    %dma_wait3A_227 = arith.constant 0 : i32
    %dma_wait3A_228 = tpu.memref_slice %arg4[%add3A_218, %dma_wait3A_226, %dma_wait3A_227] : memref<16384x50x32xf32, #tpu.memory_space<hbm>> -> memref<16x50x32xf32, #tpu.memory_space<hbm>>
    %dma_wait3A_229 = arith.constant 0 : i32
    %dma_wait3A_230 = arith.constant 0 : i32
    %dma_wait3A_231 = arith.constant 0 : i32
    %dma_wait3A_232 = tpu.memref_slice %arg6[%rem3A_216, %dma_wait3A_229, %dma_wait3A_230, %dma_wait3A_231] : memref<2x16x50x32xf32, #tpu.memory_space<vmem>> -> memref<1x16x50x32xf32, #tpu.memory_space<vmem>>
    %dma_wait3A_233 = tpu.memref_squeeze %dma_wait3A_232 : memref<1x16x50x32xf32, #tpu.memory_space<vmem>> -> memref<16x50x32xf32, #tpu.memory_space<vmem>>
    tpu.wait_dma2 semaphore(%arg8 : memref<!tpu.dma_semaphore, #tpu.memory_space<semaphore_mem>>) src(%dma_wait3A_233 : memref<16x50x32xf32, #tpu.memory_space<vmem>>) dst(%dma_wait3A_228 : memref<16x50x32xf32, #tpu.memory_space<hbm>>)
    return
  }
}

</mosaic_0001>

<sc_bundles>
// kernel: kernel.3.cloned.1.call-start
scs
__scs_entry_jumppad:
0x0: {  	(pc) =	sbr.rel $0x88, $3  }
0x1: {  	(tag) =	ssettag $0x0;
	lr =	simm.s32 $0x1  }
0x2: {  	[smem:$0x3F9F] =	sst lr;
	_ =	strace $0xD0000000  }
0x3: {  	_ = 	snop  }
0x4: {  	_ = 	snop  }
0x5: {  	_ = 	snop  }
0x6: {  	_ = 	snop  }
0x7: {  	_ = 	snop  }
__scs_overlays_trampoline_lowered:
0x8: {  	[smem:$0x3FAE] =	sst s0  }
0x9: {  	[smem:$0x3FAF] =	sst s1  }
0xa: {  	[smem:$0x3FB0] =	sst s2  }
0xb: {  	[smem:$0x3FB1] =	sst s3  }
0xc: {  	[smem:$0x3FB2] =	sst s4  }
0xd: {  	[smem:$0x3FB3] =	sst s5  }
0xe: {  	[smem:$0x3FB4] =	sst s6  }
0xf: {  	[smem:$0x3FB5] =	sst s7  }
0x10: {  	[smem:$0x3FB6] =	sst s8  }
0x11: {  	[smem:$0x3FB7] =	sst s9;
	s0 =	simm.s32 @!p0 $0x0  }
0x12: {  	s1 =	sld [smem:$0x3F9D];
	s0 =	simm.s32 @p0 $0x1  }
0x13: {  	[smem:$0x3FB8] =	sst s0;
	s0 =	simm.s32 @!p1 $0x0  }
0x14: {  	s2 =	sld [smem:$0x3F9C];
	s0 =	simm.s32 @p1 $0x1  }
0x15: {  	[smem:$0x3FB9] =	sst s0;
	s0 =	simm.s32 @!p2 $0x0  }
0x16: {  	s3 =	sld [smem:$0x3FDB];
	s0 =	simm.s32 @p2 $0x1  }
0x17: {  	s4 =	simm.s32 $0x1BF5;
	[smem:$0x3FBB] =	sst s0  }
0x18: {  	s0 =	sld [smem:$0x3F9E];
	_ =	swait.ge [sflag:s4], $0x0  }
0x19: {  	s7 =	sld [smem:$0x3F9F]  }
0x1a: {  	s8 =	sadd.s32 $0xFFFFE003, lr  }
0x1b: {  	s9 =	sadd.s32 $0xFFFFFEF7, lr;
	s5 =	simm.s32 $0xFFFFFFFF;
	p2 =	slt.u32 s8, $0xFFFFF086  }
0x1c: {  	p1 =	slt.u32 s9, $0xF7A;
	s5 =	simm.s32 @!p2 $0x0  }
0x1d: {  	s5 =	simm.s32 @p1 $0x1;
	p0 =	seq.s32 s7, s2  }
0x1e: {  	s7 =	smul.u32 @!p0 $0xF7A, s2;
	p2 =	seq.s32 @!p0 s5, $0x0  }
0x1f: {  	s9 =	smul.u32 $0xF7A, s1;
	s8 =	simm.s32 @!p0 $0x1BF5;
	p2 =	por !p2, p0  }
0x20: {  	[sflag:s8] =	ssyncset.s32 @!p0 $0xFFFFF086;
	s6 =	sadd.s32 @!p0 s3, s7;
	s7 =	simm.s32 @!p0 $0x108  }
0x21: {  	s3 =	sadd.s32 s3, s9;
	s6 =	sadd.s32 @!p0 $0x88, s6;
	s7 =	simm.s32 @p2 $0x1082  }
0x22: {  	[simem:s7], [sflag:s8] =	dma.local @!p0 [hbm:s6], $0xF7A  }
0x23: {  	s9 =	sor.u32 $0xD0000000, s2;
	s6 =	simm.s32 $0x108;
	_ =	swait.ge @!p0 [sflag:s8], $0x0  }
0x24: {  	s3 =	sadd.s32 $0x88, s3;
	s6 =	simm.s32 @!p1 $0x1082;
	[sflag:s4] =	ssyncset.s32 $0xFFFFF086  }
0x25: {  	[simem:s6], [sflag:s4] =	dma.local [hbm:s3], $0xF7A  }
0x26: {  	[smem:$0x3F9F] =	sst s1;
	(tag) =	ssettag s2;
	_ =	strace s9  }
0x27: {  	s1 =	sld [smem:$0x3FAF]  }
0x28: {  	s2 =	sld [smem:$0x3FB0]  }
0x29: {  	s4 =	sld [smem:$0x3FB2]  }
0x2a: {  	p0 =	seq.s32 s5, $0x0;
	s5 =	sld [smem:$0x3FB3]  }
0x2b: {  	s6 =	sld [smem:$0x3FB4]  }
0x2c: {  	s7 =	sld [smem:$0x3FB5]  }
0x2d: {  	s3 =	simm.s32 $0x108;
	s8 =	sld [smem:$0x3FB6]  }
0x2e: {  	s3 =	simm.s32 @!p0 $0x1082;
	s9 =	sld [smem:$0x3FB7]  }
0x2f: {  	lr =	sadd.s32 s0, s3;
	s0 =	sld [smem:$0x3FAE]  }
0x30: {  	s3 =	sld [smem:$0x3FB1]  }
0x31: {  	[smem:$0x3FBA] =	sst s10  }
0x32: {  	s10 =	sld [smem:$0x3FB8];
	_ =	sdelay $0x3  }
0x33: {  	p0 =	seq.s32 s10, $0x1;
	s10 =	sld [smem:$0x3FBA];
	_ =	sdelay $0x3  }
0x34: {  	[smem:$0x3FBA] =	sst s10  }
0x35: {  	s10 =	sld [smem:$0x3FB9];
	_ =	sdelay $0x3  }
0x36: {  	p1 =	seq.s32 s10, $0x1;
	s10 =	sld [smem:$0x3FBA];
	_ =	sdelay $0x3  }
0x37: {  	[smem:$0x3FBA] =	sst s10  }
0x38: {  	s10 =	sld [smem:$0x3FBB]  }
0x39: {  	_ = 	snop;
	(pc) =	sbr.ind lr, $3  }
0x3a: {  	_ = 	snop  }
0x3b: {  	_ = 	snop  }
0x3c: {  	p2 =	seq.s32 s10, $0x1;
	s10 =	sld [smem:$0x3FBA]  }
0x3d: {  	_ =	shalt  }
0x3e: {  	_ =	shalt  }
0x3f: {  	_ =	shalt  }
0x40: {  	_ =	shalt  }
0x41: {  	_ =	shalt  }
0x42: {  	_ =	shalt  }
0x43: {  	_ =	shalt  }
0x44: {  	_ =	shalt  }
0x45: {  	_ =	shalt  }
0x46: {  	_ =	shalt  }
0x47: {  	_ =	shalt  }
0x48: {  	_ =	shalt  }
0x49: {  	_ =	shalt  }
0x4a: {  	_ =	shalt  }
0x4b: {  	_ =	shalt  }
0x4c: {  	_ =	shalt  }
0x4d: {  	_ =	shalt  }
0x4e: {  	_ =	shalt  }
0x4f: {  	_ =	shalt  }
0x50: {  	_ =	shalt  }
0x51: {  	_ =	shalt  }
0x52: {  	_ =	shalt  }
0x53: {  	_ =	shalt  }
0x54: {  	_ =	shalt  }
0x55: {  	_ =	shalt  }
0x56: {  	_ =	shalt  }
0x57: {  	_ =	shalt  }
0x58: {  	_ =	shalt  }
0x59: {  	_ =	shalt  }
0x5a: {  	_ =	shalt  }
0x5b: {  	_ =	shalt  }
0x5c: {  	_ =	shalt  }
0x5d: {  	_ =	shalt  }
0x5e: {  	_ =	shalt  }
0x5f: {  	_ =	shalt  }
0x60: {  	_ =	shalt  }
0x61: {  	_ =	shalt  }
0x62: {  	_ =	shalt  }
0x63: {  	_ =	shalt  }
0x64: {  	_ =	shalt  }
0x65: {  	_ =	shalt  }
0x66: {  	_ =	shalt  }
0x67: {  	_ =	shalt  }
0x68: {  	_ =	shalt  }
0x69: {  	_ =	shalt  }
0x6a: {  	_ =	shalt  }
0x6b: {  	_ =	shalt  }
0x6c: {  	_ =	shalt  }
0x6d: {  	_ =	shalt  }
0x6e: {  	_ =	shalt  }
0x6f: {  	_ =	shalt  }
0x70: {  	_ =	shalt  }
0x71: {  	_ =	shalt  }
0x72: {  	_ =	shalt  }
0x73: {  	_ =	shalt  }
0x74: {  	_ =	shalt  }
0x75: {  	_ =	shalt  }
0x76: {  	_ =	shalt  }
0x77: {  	_ =	shalt  }
0x78: {  	_ =	shalt  }
0x79: {  	_ =	shalt  }
0x7a: {  	_ =	shalt  }
0x7b: {  	_ =	shalt  }
0x7c: {  	_ =	shalt  }
0x7d: {  	_ =	shalt  }
0x7e: {  	_ =	shalt  }
0x7f: {  	_ =	shalt  }
0x80: {  	_ =	shalt  }
0x81: {  	_ =	shalt  }
0x82: {  	_ =	shalt  }
0x83: {  	_ =	shalt  }
0x84: {  	_ =	shalt  }
0x85: {  	_ =	shalt  }
0x86: {  	_ =	shalt  }
0x87: {  	_ =	shalt  }
.Lfunc_end0:
.L_simem_size_0:
called_computation.1_lowered:
.L_overlay_start_0:
0x88: {  	s2 =	sld [smem:$0x3FD9]  }
0x89: {  	s3 =	sld [smem:$0x3FFE];
	_ =	sdelay $0x1  }
0x8a: {  	s1 =	srdreg.scid  }
0x8b: {  	s0 =	sand.u32 $0x1, s1  }
0x8c: {  	s17 =	sshll.u32 s0, $0xA;
	s2 =	sadd.s32 s3, s2  }
0x8d: {  	s2 =	sadd.s32 s2, s17  }
0x8e: {  	[smem:$0x3FC6] =	sst s2  }
0x8f: {  	_ = 	snop  }
0x90: {  	s2 =	sld [smem:$0x3FD0];
	(tm) =	ssettm $0x1  }
0x91: {  	s18 =	sld [smem:$0x3FFB];
	_ =	sdelay $0x3  }
0x92: {  	_ =	strace s18  }
0x93: {  	s3 =	sld [smem:$0x3FFC];
	_ =	sdelay $0x3  }
0x94: {  	_ =	strace s3  }
0x95: {  	s3 =	sld [smem:$0x3FFD];
	_ =	sdelay $0x3  }
0x96: {  	_ =	strace s3  }
0x97: {  	_ =	strace $0x8FFFFFFF  }
0x98: {  	s19 =	sld [smem:$0x3FDB];
	_ =	sdelay $0x1  }
0x99: {  	s4 =	simm.s32 $_scs_section_size  }
0x9a: {  	s5 =	simm.s32 $_size__tile_overlayer_lowered;
	s6 =	simm.s32 $_tile_overlayer_lowered  }
0x9b: {  	s22 =	simm.s32 $0x1BFF;
	s21 =	sshll.u32 s6, $0x1;
	s3 =	sadd.s32 s4, s19  }
0x9c: {  	s7 =	simm.s32 $0x0;
	s20 =	sshll.u32 s5, $0x1;
	s5 =	sadd.s32 s21, s3  }
0x9d: {  	[timem:s7], [sflag:s22] =	dma.local [hbm:s5], s20  }
0x9e: {  	_ =	swait.ge [sflag:s22], s20  }
0x9f: {  	s4 =	ssub.s32 $0x0, s20;
	[sflag:s22] =	ssyncset.done $0x0  }
0xa0: {  	[sflag:s22] =	ssyncadd.s32 s4;
	_ =	sdelay $0x1  }
0xa1: {  	s23 =	simm.s32 $0x1B8B  }
0xa2: {  	_ =	swait.ge [sflag:s23], $0x1  }
0xa3: {  	[sflag:s23] =	ssyncset.done $0x0  }
0xa4: {  	s25 =	simm.s32 $0x1B8E;
	s24 =	sld [smem:$0x3FFE];
	[sflag:s23] =	ssyncadd.s32 $0xFFFFFFFF  }
0xa5: {  	s26 =	simm.s32 $execute0_lowered;
	[smem:$0x3FD2] =	sst s25  }
0xa6: {  	s5 =	sshll.u32 s26, $0x1;
	_ =	strace $0x80000046;
	[dreg:$0x1] =	wrdreg $0xFFFFFFFF  }
0xa7: {  	s28 =	simm.s32 $_size_execute0_lowered;
	s3 =	sadd.s32 s3, s5;
	[dreg:$0x0] =	wrdreg $0x0  }
0xa8: {  	s5 =	sshll.u32 s28, $0x1;
	[dreg:$0x2] =	wrdreg s3  }
0xa9: {  	[dreg:$0x3] =	wrdreg s5  }
0xaa: {  	[dreg:$0x4] =	wrdreg $0xC0  }
0xab: {  	_ =	task [dreg:s7], $0x5FFFF  }
0xac: {  	[dreg:$0x1] =	wrdreg $0xFFFFFFFF  }
0xad: {  	[dreg:$0x0] =	wrdreg $0x60  }
0xae: {  	[dreg:$0x2] =	wrdreg s24  }
0xaf: {  	[dreg:$0x3] =	wrdreg s2  }
0xb0: {  	[dreg:$0x4] =	wrdreg $0x9  }
0xb1: {  	_ =	task.clear_ibuf [dreg:s7], $0x5FFFF;
	_ =	strace $0x90000046  }
0xb2: {  	s29 =	simm.s32 $0x9;
	_ =	strace $0x80000048  }
0xb3: {  	_ =	swait.ge [sflag:s29], $0x1  }
0xb4: {  	[sflag:s29] =	ssyncadd.s32 $0xFFFFFFFF  }
0xb5: {  	_ =	strace $0x90000048  }
0xb6: {  	_ =	sfence  }
0xb7: {  	s30 =	sld [smem:$0x0];
	_ =	sdelay $0x2  }
0xb8: {  	s31 =	sshll.u32 s1, $0xD;
	s1 =	sshrl.u32 s1, $0x2  }
0xb9: {  	s3 =	sand.u32 $0x4000, s31;
	s1 =	sadd.s32 s1, s30  }
0xba: {  	s0 =	sor.u32 s3, s0;
	s1 =	sshll.u32 s1, $0x11  }
0xbb: {  	s0 =	sor.u32 s1, s0  }
0xbc: {  	s0 =	sadd.s32 $0x8F2B, s0  }
0xbd: {  	[sflag:s0] =	ssyncadd.remote.s32 $0x1  }
0xbe: {  	_ =	sfence.sel $0xFFFF  }
0xbf: {  	[dreg:$0x0] =	wrdreg $0xFFFFFFFF;
	(pc) =	sbr.abs _section_cstart, $3  }
0xc0: {  	[dreg:$0x1] =	wrdreg $0xFFFFFFFF  }
0xc1: {  	_ =	task.clear_ibuf [dreg:s7], $0x2FFFF;
	_ =	strace $0x9FFFFFFF  }
0xc2: {  	(tm) =	ssettm $0x7FFFFFFF  }
0xc3: {  	_ =	shalt  }
tec
execute0_lowered:
.L_overlay_start_1:
0x0: {  	(tag) =	ssettag $0x1  }
0x1: {  	s0 =	srdreg.scid;
	s1 =	rddreg [dreg:$0x0]  }
0x2: {  	s3 =	stileid.u32;
	s2 =	rddreg [dreg:$0x1];
	s8 =	simm.s32 $0x3  }
0x3: {  	s9 =	simm.s32 $0x32;
	s29 =	simm.s32 $0xA840;
	s30 =	simm.s32 $0x230  }
0x4: {  	s31 =	simm.s32 $0xAE80;
	s10 =	simm.s32 $0x2A0;
	s11 =	simm.s32 $0xBB00  }
0x5: {  	s12 =	simm.s32 $0x2D8;
	s13 =	simm.s32 $0xC140;
	s14 =	simm.s32 $0x310  }
0x6: {  	s15 =	simm.s32 $0xC780;
	s16 =	simm.s32 $0x348;
	s17 =	simm.s32 $0xCDC0  }
0x7: {  	s18 =	simm.s32 $0x1;
	s19 =	simm.s32 $0x2;
	s0 =	sand.u32 $0x1, s0  }
0x8: {  	s3 =	sshll.u32 s3, $0xA;
	s4 =	sshll.u32 s0, $0x9;
	s0 =	ssub.s32 $0x2, s0  }
.Ltmp0:
0x9: {  	s3 =	sor.u32 s4, s3;
	s4 =	simm.s32 $0x0;
	(pc) =	sbr.rel .LBB2_1-.Ltmp0, $4  }
0xa: {  	s6 =	sshrl.u32 s0, $0x1;
	s5 =	smul.u32 $0x7, s3;
	[smem:$0x7FF] =	sst s4  }
0xb: {  	s20 =	simm.s32 $0x0;
	s0 =	ssub.s32 s0, s6;
	_ =	strace $0x80000047  }
0xc: {  	s7 =	sadd.s32 s5, s1;
	s5 =	sadd.s32 $0xF42E00, s1;
	s1 =	simm.s32 $0x268  }
0xd: {  	s6 =	sadd.s32 $0xA00, s7;
	s7 =	smax.u32 s0, $0x1;
	s0 =	simm.s32 $0xB4C0  }
.LBB2_5:
0xe: {  	s20 =	sadd.s32 $0x1, s20  }
0xf: {  	p0 =	sne.s32 s20, s7  }
.Ltmp1:
0x10: {  	_ = 	snop;
	(pc) =	sbr.rel @!p0 .LBB2_6-.Ltmp1, $4  }
0x11: {  	_ = 	snop  }
0x12: {  	_ =	swait.ge [sflag:s19], $0x6400  }
0x13: {  	[sflag:s19] =	ssyncset.done $0x0  }
0x14: {  	[sflag:s19] =	ssyncadd.s32 $0xFFFF9C00  }
.LBB2_1:
0x15: {  	[tilespmem:s4], [sflag:$0x3] =	stream.linear.gather [hbm4b:s6+s4], $0x7000, $0x38;
	[tilespmem:$0x13800] =	vst v63  }
0x16: {  	_ =	swait.ge [sflag:s8], $0x7000  }
0x17: {  	[sflag:s8] =	ssyncset.done $0x0  }
0x18: {  	s21 =	simm.s32 $0x7000;
	[sflag:s8] =	ssyncadd.s32 $0xFFFF9000  }
0x19: {  	[tilespmem:s21], [sflag:$0x1] =	stream.indirect.gather [hbm4b:s5+s9], $0x20, s4, s9, $0xb8;
	[tilespmem:$0x13800] =	vst v63  }
0x1a: {  	s23 =	simm.s32 $0x38;
	s22 =	simm.s32 $0x7640  }
0x1b: {  	[tilespmem:s22], [sflag:$0x1] =	stream.indirect.gather [hbm4b:s5+s9], $0x20, s23, s9, $0xb8;
	[tilespmem:$0x13800] =	vst v63  }
0x1c: {  	s24 =	simm.s32 $0x70;
	s25 =	simm.s32 $0x7C80  }
0x1d: {  	[tilespmem:s25], [sflag:$0x1] =	stream.indirect.gather [hbm4b:s5+s9], $0x20, s24, s9, $0xb8;
	[tilespmem:$0x13800] =	vst v63  }
0x1e: {  	s26 =	simm.s32 $0xA8;
	s28 =	simm.s32 $0x82C0  }
0x1f: {  	[tilespmem:s28], [sflag:$0x1] =	stream.indirect.gather [hbm4b:s5+s9], $0x20, s26, s9, $0xb8;
	[tilespmem:$0x13800] =	vst v63  }
0x20: {  	s22 =	simm.s32 $0xE0;
	s23 =	simm.s32 $0x8900  }
0x21: {  	[tilespmem:s23], [sflag:$0x1] =	stream.indirect.gather [hbm4b:s5+s9], $0x20, s22, s9, $0xb8;
	[tilespmem:$0x13800] =	vst v63  }
0x22: {  	s24 =	simm.s32 $0x118;
	s25 =	simm.s32 $0x8F40  }
0x23: {  	[tilespmem:s25], [sflag:$0x1] =	stream.indirect.gather [hbm4b:s5+s9], $0x20, s24, s9, $0xb8;
	[tilespmem:$0x13800] =	vst v63  }
0x24: {  	s26 =	simm.s32 $0x150;
	s28 =	simm.s32 $0x9580  }
0x25: {  	[tilespmem:s28], [sflag:$0x1] =	stream.indirect.gather [hbm4b:s5+s9], $0x20, s26, s9, $0xb8;
	[tilespmem:$0x13800] =	vst v63  }
0x26: {  	s23 =	simm.s32 $0x188;
	s24 =	simm.s32 $0x9BC0  }
0x27: {  	[tilespmem:s24], [sflag:$0x1] =	stream.indirect.gather [hbm4b:s5+s9], $0x20, s23, s9, $0xb8;
	[tilespmem:$0x13800] =	vst v63  }
0x28: {  	s25 =	simm.s32 $0x1C0;
	s26 =	simm.s32 $0xA200  }
0x29: {  	[tilespmem:s26], [sflag:$0x1] =	stream.indirect.gather [hbm4b:s5+s9], $0x20, s25, s9, $0xb8;
	[tilespmem:$0x13800] =	vst v63  }
0x2a: {  	s28 =	simm.s32 $0x1F8  }
0x2b: {  	[tilespmem:s29], [sflag:$0x1] =	stream.indirect.gather [hbm4b:s5+s9], $0x20, s28, s9, $0xb8;
	[tilespmem:$0x13800] =	vst v63  }
0x2c: {  	_ = 	snop  }
0x2d: {  	[tilespmem:s31], [sflag:$0x1] =	stream.indirect.gather [hbm4b:s5+s9], $0x20, s30, s9, $0xb8;
	[tilespmem:$0x13800] =	vst v63  }
0x2e: {  	_ = 	snop  }
0x2f: {  	[tilespmem:s0], [sflag:$0x1] =	stream.indirect.gather [hbm4b:s5+s9], $0x20, s1, s9, $0xb8;
	[tilespmem:$0x13800] =	vst v63  }
0x30: {  	_ = 	snop  }
0x31: {  	[tilespmem:s11], [sflag:$0x1] =	stream.indirect.gather [hbm4b:s5+s9], $0x20, s10, s9, $0xb8;
	[tilespmem:$0x13800] =	vst v63  }
0x32: {  	_ = 	snop  }
0x33: {  	[tilespmem:s13], [sflag:$0x1] =	stream.indirect.gather [hbm4b:s5+s9], $0x20, s12, s9, $0xb8;
	[tilespmem:$0x13800] =	vst v63  }
.Ltmp2:
0x34: {  	_ = 	snop;
	(pc) =	sbr.rel .LBB2_2-.Ltmp2, $4  }
0x35: {  	_ = 	snop  }
0x36: {  	[tilespmem:s15], [sflag:$0x1] =	stream.indirect.gather [hbm4b:s5+s9], $0x20, s14, s9, $0xb8;
	[tilespmem:$0x13800] =	vst v63  }
0x37: {  	s21 =	simm.s32 $0x0  }
0x38: {  	[tilespmem:s17], [sflag:$0x1] =	stream.indirect.gather [hbm4b:s5+s9], $0x20, s16, s9, $0xb8;
	[tilespmem:$0x13800] =	vst v63  }
.LBB2_4:
0x39: {  	_ =	swait.ge [sflag:s18], $0x640  }
0x3a: {  	[sflag:s18] =	ssyncset.done $0x0  }
0x3b: {  	[sflag:s18] =	ssyncadd.s32 $0xFFFFF9C0  }
0x3c: {  	_ =	swait.ge [sflag:s18], $0x640  }
0x3d: {  	[sflag:s18] =	ssyncset.done $0x0  }
0x3e: {  	[sflag:s18] =	ssyncadd.s32 $0xFFFFF9C0  }
0x3f: {  	_ =	swait.ge [sflag:s18], $0x640  }
0x40: {  	[sflag:s18] =	ssyncset.done $0x0  }
0x41: {  	[sflag:s18] =	ssyncadd.s32 $0xFFFFF9C0  }
0x42: {  	_ =	swait.ge [sflag:s18], $0x640  }
0x43: {  	[sflag:s18] =	ssyncset.done $0x0  }
0x44: {  	[sflag:s18] =	ssyncadd.s32 $0xFFFFF9C0  }
0x45: {  	_ =	swait.ge [sflag:s18], $0x640  }
0x46: {  	[sflag:s18] =	ssyncset.done $0x0  }
0x47: {  	[sflag:s18] =	ssyncadd.s32 $0xFFFFF9C0  }
0x48: {  	_ =	swait.ge [sflag:s18], $0x640  }
0x49: {  	[sflag:s18] =	ssyncset.done $0x0  }
0x4a: {  	[sflag:s18] =	ssyncadd.s32 $0xFFFFF9C0  }
0x4b: {  	_ =	swait.ge [sflag:s18], $0x640  }
0x4c: {  	[sflag:s18] =	ssyncset.done $0x0  }
0x4d: {  	[sflag:s18] =	ssyncadd.s32 $0xFFFFF9C0  }
0x4e: {  	_ =	swait.ge [sflag:s18], $0x640  }
0x4f: {  	[sflag:s18] =	ssyncset.done $0x0  }
0x50: {  	[sflag:s18] =	ssyncadd.s32 $0xFFFFF9C0  }
0x51: {  	_ =	swait.ge [sflag:s18], $0x640  }
0x52: {  	[sflag:s18] =	ssyncset.done $0x0  }
0x53: {  	[sflag:s18] =	ssyncadd.s32 $0xFFFFF9C0  }
0x54: {  	_ =	swait.ge [sflag:s18], $0x640  }
0x55: {  	[sflag:s18] =	ssyncset.done $0x0  }
0x56: {  	[sflag:s18] =	ssyncadd.s32 $0xFFFFF9C0  }
0x57: {  	_ =	swait.ge [sflag:s18], $0x640  }
0x58: {  	[sflag:s18] =	ssyncset.done $0x0  }
0x59: {  	[sflag:s18] =	ssyncadd.s32 $0xFFFFF9C0  }
0x5a: {  	_ =	swait.ge [sflag:s18], $0x640  }
0x5b: {  	[sflag:s18] =	ssyncset.done $0x0  }
0x5c: {  	[sflag:s18] =	ssyncadd.s32 $0xFFFFF9C0  }
0x5d: {  	_ =	swait.ge [sflag:s18], $0x640  }
0x5e: {  	[sflag:s18] =	ssyncset.done $0x0  }
0x5f: {  	[sflag:s18] =	ssyncadd.s32 $0xFFFFF9C0  }
0x60: {  	_ =	swait.ge [sflag:s18], $0x640  }
0x61: {  	[sflag:s18] =	ssyncset.done $0x0  }
0x62: {  	[sflag:s18] =	ssyncadd.s32 $0xFFFFF9C0  }
0x63: {  	s21 =	sshll.u32 s21, $0x4;
	_ =	swait.ge [sflag:s18], $0x640  }
0x64: {  	s23 =	smul.u32 $0x19000, s23;
	s21 =	sor.u32 s3, s21;
	[sflag:s18] =	ssyncset.done $0x0  }
0x65: {  	p0 =	slt.u32 s22, $0x20;
	s21 =	smul.u32 $0xC8, s21;
	[sflag:s18] =	ssyncadd.s32 $0xFFFFF9C0  }
.Ltmp3:
0x66: {  	_ =	swait.ge [sflag:s18], $0x640;
	(pc) =	sbr.rel @!p0 .LBB2_5-.Ltmp3, $4  }
0x67: {  	s23 =	sshrl.u32 s23, $0x2;
	[sflag:s18] =	ssyncset.done $0x0  }
0x68: {  	s23 =	sadd.s32 $0x7000, s23;
	s21 =	sadd.s32 s2, s21;
	[sflag:s18] =	ssyncadd.s32 $0xFFFFF9C0  }
0x69: {  	[hbm4b:s21+s4] =	stream.linear.scatter [tilespmem:s23], [sflag:$0x2], $0x6400, $0x38;
	[tilespmem:$0x13800] =	vst v63  }
0x6a: {  	s21 =	smov.u32 s22  }
.LBB2_2:
0x6b: {  	p0 =	seq.s32 s21, $0x0  }
0x6c: {  	p1 =	seq.s32 @!p0 s21, $0x1F  }
0x6d: {  	p1 =	por p0, !p1  }
.Ltmp4:
0x6e: {  	_ = 	snop;
	(pc) =	sbr.rel @!p1 .LBB2_4-.Ltmp4, $4  }
0x6f: {  	s22 =	simm.s32 @!p0 $0x2  }
0x70: {  	_ =	swait.ge @!p0 [sflag:s22], $0x6400  }
0x71: {  	[sflag:s22] =	ssyncset.done @!p0 $0x0  }
0x72: {  	s23 =	sand.u32 $0x1, s21;
	[sflag:s22] =	ssyncadd.s32 @!p0 $0xFFFF9C00;
	s22 =	simm.s32 @!p0 $0x20  }
0x73: {  	s22 =	sadd.s32 @!p0 $0x1, s21;
	s24 =	sxor.u32 $0x1, s23  }
0x74: {  	s22 =	simm.s32 @p0 $0x1;
	s24 =	smul.u32 $0x19000, s24  }
0x75: {  	s25 =	smul.u32 $0xE00, s22  }
0x76: {  	s24 =	sshrl.u32 s24, $0x2  }
0x77: {  	s26 =	sadd.s32 $0x7000, s24;
	s25 =	sshra.s32 s25, $0x2  }
0x78: {  	[tilespmem:s26], [sflag:$0x1] =	stream.indirect.gather [hbm4b:s5+s9], $0x20, s25, s9, $0xb8;
	[tilespmem:$0x13800] =	vst v63  }
0x79: {  	s26 =	sadd.s32 $0x7640, s24;
	s28 =	sor.u32 $0x38, s25  }
0x7a: {  	[tilespmem:s26], [sflag:$0x1] =	stream.indirect.gather [hbm4b:s5+s9], $0x20, s28, s9, $0xb8;
	[tilespmem:$0x13800] =	vst v63  }
0x7b: {  	s26 =	sadd.s32 $0x7C80, s24;
	s28 =	sor.u32 $0x70, s25  }
0x7c: {  	[tilespmem:s26], [sflag:$0x1] =	stream.indirect.gather [hbm4b:s5+s9], $0x20, s28, s9, $0xb8;
	[tilespmem:$0x13800] =	vst v63  }
0x7d: {  	s26 =	sor.u32 $0x82C0, s24;
	s28 =	sadd.s32 $0xA8, s25  }
0x7e: {  	[tilespmem:s26], [sflag:$0x1] =	stream.indirect.gather [hbm4b:s5+s9], $0x20, s28, s9, $0xb8;
	[tilespmem:$0x13800] =	vst v63  }
0x7f: {  	s26 =	sadd.s32 $0x8900, s24;
	s28 =	sadd.s32 $0xE0, s25  }
0x80: {  	[tilespmem:s26], [sflag:$0x1] =	stream.indirect.gather [hbm4b:s5+s9], $0x20, s28, s9, $0xb8;
	[tilespmem:$0x13800] =	vst v63  }
0x81: {  	s26 =	sadd.s32 $0x8F40, s24;
	s28 =	sadd.s32 $0x118, s25  }
0x82: {  	[tilespmem:s26], [sflag:$0x1] =	stream.indirect.gather [hbm4b:s5+s9], $0x20, s28, s9, $0xb8;
	[tilespmem:$0x13800] =	vst v63  }
0x83: {  	s26 =	sadd.s32 $0x9580, s24;
	s28 =	sadd.s32 $0x150, s25  }
0x84: {  	[tilespmem:s26], [sflag:$0x1] =	stream.indirect.gather [hbm4b:s5+s9], $0x20, s28, s9, $0xb8;
	[tilespmem:$0x13800] =	vst v63  }
0x85: {  	s26 =	sadd.s32 $0x9BC0, s24;
	s28 =	sadd.s32 $0x188, s25  }
0x86: {  	[tilespmem:s26], [sflag:$0x1] =	stream.indirect.gather [hbm4b:s5+s9], $0x20, s28, s9, $0xb8;
	[tilespmem:$0x13800] =	vst v63  }
0x87: {  	s26 =	sadd.s32 $0xA200, s24;
	s28 =	sadd.s32 $0x1C0, s25  }
0x88: {  	[tilespmem:s26], [sflag:$0x1] =	stream.indirect.gather [hbm4b:s5+s9], $0x20, s28, s9, $0xb8;
	[tilespmem:$0x13800] =	vst v63  }
0x89: {  	s26 =	sadd.s32 $0xA840, s24;
	s28 =	sadd.s32 $0x1F8, s25  }
0x8a: {  	[tilespmem:s26], [sflag:$0x1] =	stream.indirect.gather [hbm4b:s5+s9], $0x20, s28, s9, $0xb8;
	[tilespmem:$0x13800] =	vst v63  }
0x8b: {  	s26 =	sadd.s32 $0xAE80, s24;
	s28 =	sadd.s32 $0x230, s25  }
0x8c: {  	[tilespmem:s26], [sflag:$0x1] =	stream.indirect.gather [hbm4b:s5+s9], $0x20, s28, s9, $0xb8;
	[tilespmem:$0x13800] =	vst v63  }
0x8d: {  	s26 =	sadd.s32 $0xB4C0, s24;
	s28 =	sadd.s32 $0x268, s25  }
0x8e: {  	[tilespmem:s26], [sflag:$0x1] =	stream.indirect.gather [hbm4b:s5+s9], $0x20, s28, s9, $0xb8;
	[tilespmem:$0x13800] =	vst v63  }
0x8f: {  	s26 =	sadd.s32 $0xBB00, s24;
	s28 =	sadd.s32 $0x2A0, s25  }
0x90: {  	[tilespmem:s26], [sflag:$0x1] =	stream.indirect.gather [hbm4b:s5+s9], $0x20, s28, s9, $0xb8;
	[tilespmem:$0x13800] =	vst v63  }
0x91: {  	s26 =	sadd.s32 $0xC140, s24;
	s28 =	sadd.s32 $0x2D8, s25  }
0x92: {  	[tilespmem:s26], [sflag:$0x1] =	stream.indirect.gather [hbm4b:s5+s9], $0x20, s28, s9, $0xb8;
	[tilespmem:$0x13800] =	vst v63  }
.Ltmp5:
0x93: {  	_ = 	snop;
	(pc) =	sbr.rel .LBB2_4-.Ltmp5, $4  }
0x94: {  	s26 =	sadd.s32 $0xC780, s24;
	s28 =	sadd.s32 $0x310, s25  }
0x95: {  	[tilespmem:s26], [sflag:$0x1] =	stream.indirect.gather [hbm4b:s5+s9], $0x20, s28, s9, $0xb8;
	[tilespmem:$0x13800] =	vst v63  }
0x96: {  	s24 =	sadd.s32 $0xCDC0, s24;
	s25 =	sadd.s32 $0x348, s25  }
0x97: {  	[tilespmem:s24], [sflag:$0x1] =	stream.indirect.gather [hbm4b:s5+s9], $0x20, s25, s9, $0xb8;
	[tilespmem:$0x13800] =	vst v63  }
.LBB2_6:
0x98: {  	_ =	sfence.sel $0x180000  }
0x99: {  	[bflag:$0x0] =	sbarrier.arrive $0xFFFF  }
0x9a: {  	_ =	strace $0x90000047  }
0x9b: {  	s0 =	stileid.u32;
	[bflag:$0x2] =	sbarrier.arrive $0xFFFF  }
0x9c: {  	p0 =	sne.s32 s0, $0x0;
	s0 =	rddreg [dreg:$0x2]  }
0x9d: {  	s0 =	sadd.s32 @!p0 $0x100000, s0  }
0x9e: {  	[sflag:s0] =	ssyncadd.tile.s32 @!p0 $0x1;
	_ =	shalt  }
.Lfunc_end2:
_tile_overlayer_lowered:
.L_overlay_start_2:
0x9f: {  	(tag) =	ssettag $0x2  }
0xa0: {  	s0 =	rddreg [dreg:$0x0];
	s2 =	stileid.u32  }
0xa1: {  	s1 =	rddreg [dreg:$0x1];
	p0 =	sne.s32 s2, $0x0  }
0xa2: {  	s3 =	rddreg [dreg:$0x2];
	[bflag:$0x3] =	sbarrier.arrive $0xFFFF;
	s2 =	simm.s32 @!p0 $0x1C03  }
0xa3: {  	[timem:s3], [sflag:s2] =	dma.local @!p0 [hbm:s0], s1  }
0xa4: {  	s0 =	simm.s32 @!p0 $0x3  }
0xa5: {  	_ =	swait.ge @!p0 [sflag:s0], s1  }
0xa6: {  	s1 =	ssub.s32 @!p0 $0x0, s1;
	[sflag:s0] =	ssyncset.done @!p0 $0x0  }
0xa7: {  	[sflag:s0] =	ssyncadd.s32 @!p0 s1  }
0xa8: {  	[bflag:$0x3] =	sbarrier.arrive $0xFFFF  }
0xa9: {  	_ =	shalt  }

// kernel: sparse-core-data-format-call.cloned.1.call-start
scs
called_computation_lowered:
.L_overlay_start_0:
0x0: {  	s2 =	sld [smem:$0x3FD9]  }
0x1: {  	s3 =	sld [smem:$0x3FFE];
	_ =	sdelay $0x1  }
0x2: {  	s1 =	srdreg.scid  }
0x3: {  	s0 =	sand.u32 $0x1, s1  }
0x4: {  	s18 =	sshll.u32 s0, $0xA;
	s2 =	sadd.s32 s3, s2  }
0x5: {  	s2 =	sadd.s32 s2, s18  }
0x6: {  	[smem:$0x3FC6] =	sst s2  }
0x7: {  	_ = 	snop  }
0x8: {  	s2 =	sld [smem:$0x3FD0];
	(tm) =	ssettm $0x1  }
0x9: {  	s19 =	sld [smem:$0x3FFB];
	_ =	sdelay $0x3  }
0xa: {  	_ =	strace s19  }
0xb: {  	s3 =	sld [smem:$0x3FFC];
	_ =	sdelay $0x3  }
0xc: {  	_ =	strace s3  }
0xd: {  	s3 =	sld [smem:$0x3FFD];
	_ =	sdelay $0x3  }
0xe: {  	_ =	strace s3  }
0xf: {  	_ =	strace $0x8FFFFFFF  }
0x10: {  	s20 =	sld [smem:$0x3FDB];
	_ =	sdelay $0x1  }
0x11: {  	s4 =	simm.s32 $_scs_section_size  }
0x12: {  	s5 =	simm.s32 $_size__tile_overlayer_lowered;
	s6 =	simm.s32 $_tile_overlayer_lowered  }
0x13: {  	s23 =	simm.s32 $0x1BFF;
	s22 =	sshll.u32 s6, $0x1;
	s3 =	sadd.s32 s4, s20  }
0x14: {  	s7 =	simm.s32 $0x0;
	s21 =	sshll.u32 s5, $0x1;
	s5 =	sadd.s32 s22, s3  }
0x15: {  	[timem:s7], [sflag:s23] =	dma.local [hbm:s5], s21  }
0x16: {  	_ =	swait.ge [sflag:s23], s21  }
0x17: {  	s4 =	ssub.s32 $0x0, s21;
	[sflag:s23] =	ssyncset.done $0x0  }
0x18: {  	[sflag:s23] =	ssyncadd.s32 s4;
	_ =	sdelay $0x1  }
0x19: {  	s24 =	simm.s32 $0x1B8B  }
0x1a: {  	_ =	swait.ge [sflag:s24], $0x1  }
0x1b: {  	[sflag:s24] =	ssyncset.done $0x0  }
0x1c: {  	s26 =	simm.s32 $0x1B8E;
	s25 =	sld [smem:$0x3FFE];
	[sflag:s24] =	ssyncadd.s32 $0xFFFFFFFF  }
0x1d: {  	s27 =	simm.s32 $execute0_lowered;
	[smem:$0x3FD2] =	sst s26  }
0x1e: {  	s5 =	sshll.u32 s27, $0x1;
	_ =	strace $0x80000049;
	[dreg:$0x1] =	wrdreg $0xFFFFFFFF  }
0x1f: {  	s28 =	simm.s32 $_size_execute0_lowered;
	s3 =	sadd.s32 s3, s5;
	[dreg:$0x0] =	wrdreg $0x0  }
0x20: {  	s5 =	sshll.u32 s28, $0x1;
	[dreg:$0x2] =	wrdreg s3  }
0x21: {  	[dreg:$0x3] =	wrdreg s5  }
0x22: {  	[dreg:$0x4] =	wrdreg $0xC0  }
0x23: {  	_ =	task [dreg:s7], $0x5FFFF  }
0x24: {  	[dreg:$0x1] =	wrdreg $0xFFFFFFFF  }
0x25: {  	[dreg:$0x0] =	wrdreg $0x60  }
0x26: {  	[dreg:$0x2] =	wrdreg s25  }
0x27: {  	[dreg:$0x3] =	wrdreg s2  }
0x28: {  	[dreg:$0x4] =	wrdreg $0x9  }
0x29: {  	_ =	task.clear_ibuf [dreg:s7], $0x5FFFF;
	_ =	strace $0x90000049  }
0x2a: {  	s29 =	simm.s32 $0x9;
	_ =	strace $0x8000004B  }
0x2b: {  	_ =	swait.ge [sflag:s29], $0x1  }
0x2c: {  	[sflag:s29] =	ssyncadd.s32 $0xFFFFFFFF  }
0x2d: {  	_ =	strace $0x9000004B  }
0x2e: {  	_ =	sfence  }
0x2f: {  	s30 =	sld [smem:$0x0];
	_ =	sdelay $0x2  }
0x30: {  	s31 =	sshll.u32 s1, $0xD;
	s1 =	sshrl.u32 s1, $0x2  }
0x31: {  	s3 =	sand.u32 $0x4000, s31;
	s1 =	sadd.s32 s1, s30  }
0x32: {  	s0 =	sor.u32 s3, s0;
	s1 =	sshll.u32 s1, $0x11  }
0x33: {  	s0 =	sor.u32 s1, s0  }
0x34: {  	s0 =	sadd.s32 $0x8F2B, s0  }
0x35: {  	[sflag:s0] =	ssyncadd.remote.s32 $0x1  }
0x36: {  	_ =	sfence.sel $0xFFFF  }
0x37: {  	[dreg:$0x0] =	wrdreg $0xFFFFFFFF;
	(pc) =	sbr.abs _section_cstart, $3  }
0x38: {  	[dreg:$0x1] =	wrdreg $0xFFFFFFFF  }
0x39: {  	_ =	task.clear_ibuf [dreg:s7], $0x2FFFF;
	_ =	strace $0x9FFFFFFF  }
0x3a: {  	(tm) =	ssettm $0x7FFFFFFF  }
0x3b: {  	_ =	shalt  }
tec
execute0_lowered:
.L_overlay_start_1:
0x0: {  	(tag) =	ssettag $0x1  }
0x1: {  	s0 =	srdreg.scid  }
0x2: {  	s1 =	sshll.u32 s0, $0x4  }
0x3: {  	s0 =	stileid.u32;
	s1 =	sand.u32 $0x10, s1  }
0x4: {  	s1 =	sor.u32 s0, s1  }
0x5: {  	s6 =	rddreg [dreg:$0x0];
	s4 =	simm.s32 $0x1;
	s2 =	sshll.u32 s1, $0x7  }
0x6: {  	s7 =	simm.s32 $0x2;
	s12 =	simm.s32 $0x0;
	s1 =	ssub.s32 $0x4000, s2  }
0x7: {  	s8 =	simm.s32 $0x20000;
	s13 =	simm.s32 $0x0;
	s3 =	sand.u32 $0xF80, s1  }
0x8: {  	s9 =	simm.s32 $0x0;
	s5 =	sshrl.u32 s1, $0xC;
	p0 =	sne.s32 s3, $0x0  }
.Ltmp0:
0x9: {  	s1 =	rddreg [dreg:$0x2];
	s4 =	simm.s32 @!p0 $0x0;
	(pc) =	sbr.rel .LBB1_1-.Ltmp0, $4  }
0xa: {  	s11 =	simm.s32 $0x0;
	s3 =	rddreg [dreg:$0x1];
	s5 =	sadd.s32 s4, s5  }
0xb: {  	_ =	strace $0x8000004A;
	s4 =	simm.s32 $0x1;
	s5 =	smul.u32 $0x32, s5  }
0xc: {  	s6 =	sadd.s32 $0xA00, s6;
	s10 =	smov.u32 s2;
	[sflag:s4] =	ssyncpa.u1 $0x0  }
0xd: {  	p0 =	por $0x0, $0x0;
	[sflag:s7] =	ssyncpa.u1 $0x0;
	s7 =	sor.u32 $0x1, s5  }
.LBB1_4:
0xe: {  	s16 =	sshll.u32 s13, $0x3;
	s17 =	sand.u32 $0x78, s13  }
0xf: {  	s30 =	sand.u32 $0xF800, s13;
	s12 =	sshll.u32 s12, $0x10;
	s16 =	sand.u32 $0x3C00, s16  }
0x10: {  	s31 =	sand.u32 $0x7, s13;
	s16 =	sor.u32 s17, s16;
	s17 =	sadd.s32 s3, s30  }
0x11: {  	s13 =	sshll.u32 s31, $0x12;
	s16 =	sshrl.u32 s16, $0x3;
	s12 =	sadd.s32 s12, s17  }
0x12: {  	[tilespmem:s15+$0x0 ss:$0x81] =	vst.msk $0xffff, v0;
	s13 =	sor.u32 $0x400, s13;
	s12 =	sadd.s32 s16, s12  }
0x13: {  	[hbm4b:s12+s13] =	stream.strided.scatter [tilespmem:s14], [sflag:$0x2], $0x1000, s8, s13, $0x20;
	[tilespmem:$0x4040] =	vst v63  }
.LBB1_5:
0x14: {  	s14 =	sadd.s32 $0x1, s9  }
0x15: {  	s12 =	sadd.s32 $0x1000, s10;
	s16 =	smov.u32 s10;
	p2 =	sgt.s32 s14, $0x31  }
0x16: {  	s16 =	smov.u32 @p2 s12  }
0x17: {  	s14 =	simm.s32 @p2 $0x0;
	p2 =	sgt.s32 s16, $0x3FFF  }
0x18: {  	s16 =	smov.u32 @p2 s2;
	p2 =	sne.s32 s11, s7  }
.Ltmp1:
0x19: {  	p1 =	slt.u32 s11, $0x2;
	(pc) =	sbr.rel @!p2 .LBB1_6-.Ltmp1, $4  }
0x1a: {  	s15 =	simm.s32 @!p1 $0x2  }
0x1b: {  	s13 =	smov.u32 s10;
	p0 =	por !p0, !p0;
	_ =	swait.ge @!p1 [sflag:s15], $0x1000  }
0x1c: {  	s12 =	smov.u32 s9;
	[sflag:s15] =	ssyncset.done @!p1 $0x0;
	s9 =	smov.u32 s14  }
0x1d: {  	s11 =	sadd.s32 $0x1, s11;
	[sflag:s15] =	ssyncadd.s32 @!p1 $0xFFFFF000;
	s10 =	smov.u32 s16  }
.LBB1_1:
0x1e: {  	p1 =	sge.u32 s11, s5  }
0x1f: {  	s14 =	sand.u32 @!p1 $0x1FFFFFF, s9  }
0x20: {  	s15 =	smulhi.u32 @!p1 $0x4924925, s14;
	_ =	sdelay $0x1  }
0x21: {  	s15 =	smul.u32 @!p1 $0x38, s15  }
0x22: {  	s16 =	sxor.u32 @!p1 $0xFFFFFFFF, s11;
	s17 =	smul.u32 @!p1 $0x380, s10  }
0x23: {  	s31 =	sadd.s32 $0xFFFFFFFF, s11;
	s16 =	sshll.u32 @!p1 s16, $0xC;
	s14 =	ssub.s32 @!p1 s14, s15  }
0x24: {  	s15 =	sand.u32 @!p1 $0x1000, s16;
	s16 =	sadd.s32 @!p1 s6, s17;
	s14 =	sshll.u32 @!p1 s14, $0x4  }
0x25: {  	s17 =	simm.s32 @!p1 $0x1C00;
	s14 =	sadd.s32 @!p1 s14, s16;
	s16 =	simm.s32 @!p1 $0x20  }
0x26: {  	[tilespmem:s15], [sflag:$0x1] =	stream.strided.gather @!p1 [hbm4b:s14+s16], $0x1000, s17, s16, $0x38;
	[tilespmem:$0x4040] =	vst v63  }
0x27: {  	p1 =	sge.u32 s31, s5  }
.Ltmp2:
0x28: {  	_ = 	snop;
	(pc) =	sbr.rel @p1 .LBB1_5-.Ltmp2, $1  }
0x29: {  	_ =	sdelay $0x3  }
0x2a: {  	s14 =	simm.s32 $0x1  }
0x2b: {  	_ =	swait.ge [sflag:s4], $0x1000;
	s14 =	simm.s32 @!p0 $0x0  }
0x2c: {  	[sflag:s4] =	ssyncset.done $0x0;
	s15 =	sshll.u32 s14, $0xC  }
0x2d: {  	[sflag:s4] =	ssyncadd.s32 $0xFFFFF000;
	s18 =	sor.u32 $0x10, s15  }
0x2e: {  	s14 =	smul.u32 $0x4080, s14;
	v1 =	vld [tilespmem:s18+$0x0]  }
0x2f: {  	s30 =	sand.u32 $0x1, s11;
	v0 =	vld [tilespmem:s18+$0xFFFFFFF0]  }
0x30: {  	s15 =	smul.u32 $0x4080, s30;
	s14 =	sshrl.u32 s14, $0x2  }
0x31: {  	s16 =	sor.u32 $0x2000, s14  }
0x32: {  	s31 =	sshrl.u32 s15, $0x2;
	s15 =	sadd.s32 $0x0, s16  }
0x33: {  	s17 =	simm.s32 $0x4;
	s18 =	sadd.s32 $0x20, s18;
	s14 =	sor.u32 $0x2000, s31;
	[tilespmem:s15+$0x810 ss:$0x81] =	vst.msk $0xffff, v1  }
.LBB1_3:
0x34: {  	v1 =	vld [tilespmem:s18+$0x0];
	p1 =	sne.s32 s17, $0x1FC;
	[tilespmem:s15+$0x0 ss:$0x81] =	vst.msk $0xffff, v0;
	s15 =	smov.u32 s17;
	s17 =	sadd.s32 $0x4, s17  }
.Ltmp3:
0x35: {  	v0 =	vld [tilespmem:s18+$0xFFFFFFF0];
	(pc) =	sbr.rel @p1 .LBB1_3-.Ltmp3, $4  }
0x36: {  	_ = 	snop  }
0x37: {  	s15 =	sshra.s32 s15, $0x2  }
0x38: {  	s15 =	sadd.s32 s15, s16  }
0x39: {  	s18 =	sadd.s32 $0x20, s18;
	[tilespmem:s15+$0x810 ss:$0x81] =	vst.msk $0xffff, v1  }
.Ltmp4:
0x3a: {  	_ = 	snop;
	(pc) =	sbr.rel .LBB1_4-.Ltmp4, $1  }
0x3b: {  	_ =	sdelay $0x3  }
.LBB1_6:
0x3c: {  	_ =	sfence.sel $0x180000  }
0x3d: {  	s2 =	simm.s32 $0x1;
	[bflag:$0x0] =	sbarrier.arrive $0xFFFF  }
0x3e: {  	s31 =	simm.s32 $0x2;
	[sflag:s2] =	ssyncpa.u1 $0x1  }
0x3f: {  	[sflag:s31] =	ssyncpa.u1 $0x1  }
0x40: {  	p0 =	sne.s32 s0, $0x0;
	_ =	strace $0x9000004A  }
0x41: {  	s0 =	sadd.s32 @!p0 $0x100000, s1;
	[bflag:$0x2] =	sbarrier.arrive $0xFFFF  }
0x42: {  	[sflag:s0] =	ssyncadd.tile.s32 @!p0 $0x1;
	_ =	shalt  }
.Lfunc_end1:
_tile_overlayer_lowered:
.L_overlay_start_2:
0x43: {  	(tag) =	ssettag $0x2  }
0x44: {  	s0 =	rddreg [dreg:$0x0];
	s2 =	stileid.u32  }
0x45: {  	s1 =	rddreg [dreg:$0x1];
	p0 =	sne.s32 s2, $0x0  }
0x46: {  	s3 =	rddreg [dreg:$0x2];
	[bflag:$0x3] =	sbarrier.arrive $0xFFFF;
	s2 =	simm.s32 @!p0 $0x1C01  }
0x47: {  	[timem:s3], [sflag:s2] =	dma.local @!p0 [hbm:s0], s1  }
0x48: {  	s0 =	simm.s32 @!p0 $0x1  }
0x49: {  	_ =	swait.ge @!p0 [sflag:s0], s1  }
0x4a: {  	s1 =	ssub.s32 @!p0 $0x0, s1;
	[sflag:s0] =	ssyncset.done @!p0 $0x0  }
0x4b: {  	[sflag:s0] =	ssyncadd.s32 @!p0 s1  }
0x4c: {  	[bflag:$0x3] =	sbarrier.arrive $0xFFFF  }
0x4d: {  	_ =	shalt  }

</sc_bundles>
